<compile_context>
chip_gen: v7x
topology: tpu7x:2x2x1
jax: 0.10.2.dev20260603
libtpu: 0.0.44.dev20260713+nightly
codegen_flags: <defaults>
</compile_context>

<pallas_src>
import functools

import numpy as np

import jax
import jax.numpy as jnp
from jax import lax
from jax.experimental import pallas as pl
from jax.experimental.pallas import tpu as pltpu
from jax.experimental.pallas import tpu_sc as plsc

_H = 128
_NUM_CAND = 1000
_PC = 2048
_POS_OFF = 1024
_BI = 256
_CJ = 128
_BE = 8000
_NC, _NS = 2, 16
_NW = _NC * _NS
_CH = 80


def _precompute_body(ne, fcol, w0a, w0b, ws, wd, b0r, a_out, b_out):
    x = ne[...]
    f = fcol[...]
    a_out[...] = (jnp.dot(x, w0a[...], preferred_element_type=jnp.float32)
                  + f * ws[...] + b0r[...])
    b_out[...] = (jnp.dot(x, w0b[...], preferred_element_type=jnp.float32)
                  + f * wd[...])


def _mlp_body(h0, w1, b1r, w2, b2r, out):
    hb = h0[...].astype(jnp.bfloat16)
    h1 = jnp.maximum(
        jnp.dot(hb, w1[...], preferred_element_type=jnp.float32) + b1r[...], 0.0)
    out[...] = jnp.dot(h1.astype(jnp.bfloat16), w2[...],
                       preferred_element_type=jnp.float32) + b2r[...]


def _rank_body(fi_ref, f2d_ref, pos_ref, sel_ref, *, n_j):
    i = pl.program_id(0)
    fi = fi_ref[...]
    ii = i * _BI + lax.broadcasted_iota(jnp.int32, (_BI, 1), 0)
    d0 = i * (_BI // _CJ)

    def le_step(j, acc):
        return acc + (f2d_ref[pl.ds(j, 1), :] <= fi).astype(jnp.int32)

    def lt_step(j, acc):
        return acc + (f2d_ref[pl.ds(j, 1), :] < fi).astype(jnp.int32)

    acc = lax.fori_loop(0, d0, le_step, jnp.zeros((_BI, _CJ), jnp.int32))
    for t in range(_BI // _CJ):
        j = d0 + t
        fj = f2d_ref[pl.ds(j, 1), :]
        jidx = j * _CJ + lax.broadcasted_iota(jnp.int32, (1, _CJ), 1)
        tie = (fj == fi) & (jidx < ii)
        acc = acc + ((fj < fi) | tie).astype(jnp.int32)
    acc = lax.fori_loop(d0 + _BI // _CJ, n_j, lt_step, acc)
    rank = jnp.sum(acc, axis=1, keepdims=True)

    @pl.when(i == 0)
    def _():
        sel_ref[...] = jnp.zeros((1, _PC), jnp.int32)

    for c in range(_PC // 128):
        sl = slice(c * 128, (c + 1) * 128)
        match = rank == pos_ref[:, sl]
        vals = jnp.where(match, ii, 0)
        sel_ref[:, sl] = sel_ref[:, sl] + jnp.sum(vals, axis=0, keepdims=True)


def _make_sc_gather(n_edges):
    per_w = n_edges // _NW
    n_ch = per_w // _CH
    assert n_ch % 2 == 1 and n_ch >= 5
    mesh = plsc.VectorSubcoreMesh(core_axis_name="c", subcore_axis_name="s")

    @functools.partial(
        pl.kernel,
        mesh=mesh,
        out_type=jax.ShapeDtypeStruct((n_edges, _H), jnp.float32),
        scratch_types=[
            pltpu.VMEM((per_w,), jnp.int32), pltpu.VMEM((per_w,), jnp.int32),
            pltpu.VMEM((_CH, _H), jnp.float32), pltpu.VMEM((_CH, _H), jnp.float32),
            pltpu.VMEM((_CH, _H), jnp.float32), pltpu.VMEM((_CH, _H), jnp.float32),
            pltpu.VMEM((_CH, _H), jnp.float32), pltpu.VMEM((_CH, _H), jnp.float32),
            pltpu.SemaphoreType.DMA, pltpu.SemaphoreType.DMA,
            pltpu.SemaphoreType.DMA, pltpu.SemaphoreType.DMA,
            pltpu.SemaphoreType.DMA, pltpu.SemaphoreType.DMA,
        ],
    )
    def gather_k(a_hbm, b_hbm, src_hbm, dst_hbm, out_hbm,
                 si_all, di_all, ra0, rb0, ra1, rb1, hv0, hv1,
                 sa0, sb0, sa1, sb1, so0, so1):
        wid = lax.axis_index("s") * _NC + lax.axis_index("c")
        base = wid * per_w
        pltpu.sync_copy(src_hbm.at[pl.ds(base, per_w)], si_all)
        pltpu.sync_copy(dst_hbm.at[pl.ds(base, per_w)], di_all)

        bufs = ((ra0, rb0, hv0, sa0, sb0, so0),
                (ra1, rb1, hv1, sa1, sb1, so1))

        def issue(c, p):
            ra, rb, _, sa, sb, _ = bufs[p]
            isl = pl.ds(c * _CH, _CH)
            pltpu.async_copy(a_hbm.at[si_all.at[isl]], ra, sa)
            pltpu.async_copy(b_hbm.at[di_all.at[isl]], rb, sb)

        def wait_gather(p):
            ra, rb, _, sa, sb, _ = bufs[p]
            pltpu.make_async_copy(a_hbm.at[si_all.at[pl.ds(0, _CH)]], ra, sa).wait()
            pltpu.make_async_copy(b_hbm.at[di_all.at[pl.ds(0, _CH)]], rb, sb).wait()

        def wait_store(p):
            _, _, hv, _, _, so = bufs[p]
            pltpu.make_async_copy(
                hv, out_hbm.at[pl.ds(base, _CH)], so).wait()

        def compute_store(c, p):
            ra, rb, hv, _, _, so = bufs[p]

            def ebody(e, carry):
                for u in range(_H // 16):
                    sl = pl.ds(u * 16, 16)
                    hv[e, sl] = jnp.maximum(ra[e, sl] + rb[e, sl], 0.0)
                return carry

            lax.fori_loop(0, _CH, ebody, 0)
            off = base + c * _CH
            pltpu.async_copy(hv, out_hbm.at[pl.ds(off, _CH)], so)

        issue(0, 0)
        issue(1, 1)
        n_pair = (n_ch - 1) // 2

        def pair(k, carry):
            c0 = 2 * k
            wait_gather(0)

            @pl.when(k > 0)
            def _():
                wait_store(0)

            compute_store(c0, 0)
            issue(c0 + 2, 0)
            wait_gather(1)

            @pl.when(k > 0)
            def _():
                wait_store(1)

            compute_store(c0 + 1, 1)

            @pl.when(k < n_pair - 1)
            def _():
                issue(c0 + 3, 1)

            return carry

        lax.fori_loop(0, n_pair, pair, 0)
        wait_gather(0)
        wait_store(0)
        compute_store(n_ch - 1, 0)
        wait_store(1)
        wait_store(0)

    return gather_k


def kernel(node_embeddings, edge_index, num_nodes, fiedler_vector,
           W0, b0, W1, b1, W2, b2):
    n, h = node_embeddings.shape
    n_edges = edge_index.shape[1]
    f32 = jnp.float32

    fcol = fiedler_vector.reshape(n, 1)
    w0a = W0[:h]
    w0b = W0[h:2 * h]
    ws = W0[2 * h].reshape(1, h)
    wd = W0[2 * h + 1].reshape(1, h)
    bf16 = jnp.bfloat16
    a_tab, b_tab = pl.pallas_call(
        _precompute_body,
        out_shape=(jax.ShapeDtypeStruct((n, h), f32),
                   jax.ShapeDtypeStruct((n, h), f32)),
    )(node_embeddings, fcol, w0a, w0b, ws, wd, b0.reshape(1, h))

    src = edge_index[0]
    dst = edge_index[1]
    h0 = _make_sc_gather(n_edges)(a_tab, b_tab, src, dst)

    w1p = W1.astype(bf16)
    n_blk = n_edges // _BE
    scores2d = pl.pallas_call(
        _mlp_body,
        grid=(n_blk,),
        in_specs=[
            pl.BlockSpec((_BE, h), lambda i: (i, 0)),
            pl.BlockSpec((h, h), lambda i: (0, 0)),
            pl.BlockSpec((1, h), lambda i: (0, 0)),
            pl.BlockSpec((h, 1), lambda i: (0, 0)),
            pl.BlockSpec((1, 1), lambda i: (0, 0)),
        ],
        out_specs=pl.BlockSpec((_BE, 1), lambda i: (i, 0)),
        out_shape=jax.ShapeDtypeStruct((n_edges, 1), f32),
    )(h0, w1p, b1.reshape(1, h), W2.astype(bf16), b2.reshape(1, 1))
    edge_scores = scores2d.reshape(n_edges)

    np_pad = ((n + _BI - 1) // _BI) * _BI
    fpad = jnp.concatenate(
        [fiedler_vector, jnp.full((np_pad - n,), jnp.inf, f32)])
    f2d = fpad.reshape(np_pad // _CJ, _CJ)
    num_pairs = min(_NUM_CAND, n * (n - 1) // 4)
    ck = jax.random.key(42)
    k1, k2 = jax.random.split(ck)
    idx1 = jax.random.randint(k1, (num_pairs,), 0, num_nodes // 2, jnp.int32)
    idx2 = jax.random.randint(k2, (num_pairs,), num_nodes // 2, num_nodes,
                              jnp.int32)
    fill = jnp.full((_POS_OFF - num_pairs,), -1, jnp.int32)
    pos = jnp.concatenate([idx1, fill, idx2, fill]).reshape(1, _PC)

    sel = pl.pallas_call(
        functools.partial(_rank_body, n_j=np_pad // _CJ),
        grid=(np_pad // _BI,),
        in_specs=[
            pl.BlockSpec((_BI, 1), lambda i: (i, 0)),
            pl.BlockSpec((np_pad // _CJ, _CJ), lambda i: (0, 0)),
            pl.BlockSpec((1, _PC), lambda i: (0, 0)),
        ],
        out_specs=pl.BlockSpec((1, _PC), lambda i: (0, 0)),
        out_shape=jax.ShapeDtypeStruct((1, _PC), jnp.int32),
    )(fpad.reshape(np_pad, 1), f2d, pos)

    src_c = sel[0, :num_pairs]
    dst_c = sel[0, _POS_OFF:_POS_OFF + num_pairs]
    candidate_edges = jnp.stack([src_c, dst_c], axis=0)
    return edge_scores, candidate_edges

# --- scband reference (transcript-rebuilt; emitter-appended) ---
"""Pipeline reference for scband-spectral-rewiring-layer-34024730919237 (READ-ONLY COPY).

The authoritative reference and input builder live on the scoring server;
editing this copy changes nothing except your own understanding.
"""

import jax, jax.numpy as jnp
import numpy as np

N_NODES = 10000
N_EDGES = 320000
HIDDEN = 128
NUM_CANDIDATES = 1000


def setup_inputs(seed: int = 0) -> dict:
    key = jax.random.key(seed)
    ks = jax.random.split(key, 10)
    node_embeddings = jax.random.normal(ks[0], (N_NODES, HIDDEN), dtype=jnp.float32)
    edge_index = jax.random.randint(ks[1], (2, N_EDGES), 0, N_NODES, dtype=jnp.int32)
    fiedler_vector = jax.random.normal(ks[2], (N_NODES,), dtype=jnp.float32)
    in_dim = 2 * HIDDEN + 2  # use_spectral_features=True adds src/dst fiedler values
    W0 = jax.random.normal(ks[3], (in_dim, HIDDEN), dtype=jnp.float32) * (1.0 / np.sqrt(in_dim))
    b0 = jnp.zeros((HIDDEN,), dtype=jnp.float32)
    W1 = jax.random.normal(ks[4], (HIDDEN, HIDDEN), dtype=jnp.float32) * (1.0 / np.sqrt(HIDDEN))
    b1 = jnp.zeros((HIDDEN,), dtype=jnp.float32)
    W2 = jax.random.normal(ks[5], (HIDDEN, 1), dtype=jnp.float32) * (1.0 / np.sqrt(HIDDEN))
    b2 = jnp.zeros((1,), dtype=jnp.float32)
    return {
        "node_embeddings": node_embeddings,
        "edge_index": edge_index,
        "num_nodes": N_NODES,
        "fiedler_vector": fiedler_vector,
        "W0": W0, "b0": b0, "W1": W1, "b1": b1, "W2": W2, "b2": b2,
    }


def reference(node_embeddings, edge_index, num_nodes, fiedler_vector, W0, b0, W1, b1, W2, b2):
    # --- per-edge feature construction (gathers) ---
    src_idx = edge_index[0]
    dst_idx = edge_index[1]
    src_emb = jnp.take(node_embeddings, src_idx, axis=0)
    dst_emb = jnp.take(node_embeddings, dst_idx, axis=0)
    src_fiedler = jnp.take(fiedler_vector, src_idx)[:, None]
    dst_fiedler = jnp.take(fiedler_vector, dst_idx)[:, None]
    edge_features = jnp.concatenate([src_emb, dst_emb, src_fiedler, dst_fiedler], axis=-1)
    # --- edge scorer MLP (Dropout is identity in eval mode) ---
    h = jax.nn.relu(edge_features @ W0 + b0)
    h = jax.nn.relu(h @ W1 + b1)
    edge_scores = (h @ W2 + b2).squeeze(-1)
    # --- spectral candidate generation ---
    sorted_indices = jnp.argsort(fiedler_vector)
    num_nodes_static = node_embeddings.shape[0]
    num_pairs = min(NUM_CANDIDATES, num_nodes_static * (num_nodes_static - 1) // 4)
    ck = jax.random.key(42)
    k1, k2 = jax.random.split(ck)
    idx1 = jax.random.randint(k1, (num_pairs,), 0, num_nodes // 2, dtype=jnp.int32)
    idx2 = jax.random.randint(k2, (num_pairs,), num_nodes // 2, num_nodes, dtype=jnp.int32)
    src_c = jnp.take(sorted_indices, idx1)
    dst_c = jnp.take(sorted_indices, idx2)
    # idx1 < num_nodes//2 <= idx2 and sorted_indices is a permutation => src_c != dst_c always
    candidate_edges = jnp.stack([src_c, dst_c], axis=0)
    return (edge_scores, candidate_edges)

if __name__ == "__main__":
    import jax
    _d = setup_inputs()
    print(jax.jit(kernel)(*tuple(_d.values())))

</pallas_src>

<mosaic_0001>
#map = affine_map<(d0, d1) -> (0, 0)>
#map1 = affine_map<(d0, d1) -> (0)>
module attributes {stable_mosaic.version = 14 : i64} {
  func.func @gather_k(%arg0: i32, %arg1: i32, %arg2: memref<10000x128xf32, #tpu.memory_space<hbm>>, %arg3: memref<10000x128xf32, #tpu.memory_space<hbm>>, %arg4: memref<320000xi32, #tpu.memory_space<hbm>>, %arg5: memref<320000xi32, #tpu.memory_space<hbm>>, %arg6: memref<320000x128xf32, #tpu.memory_space<hbm>>, %arg7: memref<10000xi32, #tpu.memory_space<vmem>>, %arg8: memref<10000xi32, #tpu.memory_space<vmem>>, %arg9: memref<80x128xf32, #tpu.memory_space<vmem>>, %arg10: memref<80x128xf32, #tpu.memory_space<vmem>>, %arg11: memref<80x128xf32, #tpu.memory_space<vmem>>, %arg12: memref<80x128xf32, #tpu.memory_space<vmem>>, %arg13: memref<80x128xf32, #tpu.memory_space<vmem>>, %arg14: memref<80x128xf32, #tpu.memory_space<vmem>>, %arg15: memref<!tpu.dma_semaphore, #tpu.memory_space<semaphore_mem>>, %arg16: memref<!tpu.dma_semaphore, #tpu.memory_space<semaphore_mem>>, %arg17: memref<!tpu.dma_semaphore, #tpu.memory_space<semaphore_mem>>, %arg18: memref<!tpu.dma_semaphore, #tpu.memory_space<semaphore_mem>>, %arg19: memref<!tpu.dma_semaphore, #tpu.memory_space<semaphore_mem>>, %arg20: memref<!tpu.dma_semaphore, #tpu.memory_space<semaphore_mem>>) attributes {dimension_semantics = [#tpu.dimension_semantics<core_parallel>, #tpu.dimension_semantics<subcore_parallel>], iteration_bounds = array<i64: 2, 16>, scalar_prefetch = 0 : i64, scratch_operands = 14 : i64, tpu.core_type = #tpu.core_type<sc_vector_subcore>, window_params = [{transform_indices = #map}, {transform_indices = #map}, {transform_indices = #map1}, {transform_indices = #map1}, {transform_indices = #map}]} {
    %mul3A = arith.constant 2 : i32
    %mul3A_0 = arith.muli %arg1, %mul3A : i32
    %add3A = arith.addi %mul3A_0, %arg0 : i32
    %mul3A_1 = arith.constant 10000 : i32
    %mul3A_2 = arith.muli %add3A, %mul3A_1 : i32
    "tpu.region"() ({
      %run_scoped3A = tpu.sem_alloc : memref<!tpu.dma_semaphore, #tpu.memory_space<semaphore_mem>>
      %dma_start3A_60 = tpu.memref_slice %arg4[%mul3A_2] : memref<320000xi32, #tpu.memory_space<hbm>> -> memref<10000xi32, #tpu.memory_space<hbm>>
      %dma_start3A_61 = tpu.memref_slice %arg4[%mul3A_2] : memref<320000xi32, #tpu.memory_space<hbm>> -> memref<10000xi32, #tpu.memory_space<hbm>>
      tpu.enqueue_dma source(%dma_start3A_61 : memref<10000xi32, #tpu.memory_space<hbm>>) target(%arg7 : memref<10000xi32, #tpu.memory_space<vmem>>) target_semaphore(%run_scoped3A : memref<!tpu.dma_semaphore, #tpu.memory_space<semaphore_mem>>)
      %dma_wait3A_62 = tpu.memref_slice %arg4[%mul3A_2] : memref<320000xi32, #tpu.memory_space<hbm>> -> memref<10000xi32, #tpu.memory_space<hbm>>
      %dma_wait3A_63 = tpu.memref_slice %arg4[%mul3A_2] : memref<320000xi32, #tpu.memory_space<hbm>> -> memref<10000xi32, #tpu.memory_space<hbm>>
      tpu.wait_dma2 semaphore(%run_scoped3A : memref<!tpu.dma_semaphore, #tpu.memory_space<semaphore_mem>>) src(%dma_wait3A_63 : memref<10000xi32, #tpu.memory_space<hbm>>) dst(%arg7 : memref<10000xi32, #tpu.memory_space<vmem>>)
      tpu.yield
    }) : () -> ()
    "tpu.region"() ({
      %run_scoped3A = tpu.sem_alloc : memref<!tpu.dma_semaphore, #tpu.memory_space<semaphore_mem>>
      %dma_start3A_60 = tpu.memref_slice %arg5[%mul3A_2] : memref<320000xi32, #tpu.memory_space<hbm>> -> memref<10000xi32, #tpu.memory_space<hbm>>
      %dma_start3A_61 = tpu.memref_slice %arg5[%mul3A_2] : memref<320000xi32, #tpu.memory_space<hbm>> -> memref<10000xi32, #tpu.memory_space<hbm>>
      tpu.enqueue_dma source(%dma_start3A_61 : memref<10000xi32, #tpu.memory_space<hbm>>) target(%arg8 : memref<10000xi32, #tpu.memory_space<vmem>>) target_semaphore(%run_scoped3A : memref<!tpu.dma_semaphore, #tpu.memory_space<semaphore_mem>>)
      %dma_wait3A_62 = tpu.memref_slice %arg5[%mul3A_2] : memref<320000xi32, #tpu.memory_space<hbm>> -> memref<10000xi32, #tpu.memory_space<hbm>>
      %dma_wait3A_63 = tpu.memref_slice %arg5[%mul3A_2] : memref<320000xi32, #tpu.memory_space<hbm>> -> memref<10000xi32, #tpu.memory_space<hbm>>
      tpu.wait_dma2 semaphore(%run_scoped3A : memref<!tpu.dma_semaphore, #tpu.memory_space<semaphore_mem>>) src(%dma_wait3A_63 : memref<10000xi32, #tpu.memory_space<hbm>>) dst(%arg8 : memref<10000xi32, #tpu.memory_space<vmem>>)
      tpu.yield
    }) : () -> ()
    %dma_start3A = arith.constant 0 : i32
    %dma_start3A_3 = tpu.memref_slice %arg7[%dma_start3A] : memref<10000xi32, #tpu.memory_space<vmem>> -> memref<80xi32, #tpu.memory_space<vmem>>
    %dma_start3A_4 = arith.constant 0 : i32
    %dma_start3A_5 = arith.constant 0 : i32
    %dma_start3A_6 = tpu.memref_slice %arg2[%dma_start3A_4, %dma_start3A_5] : memref<10000x128xf32, #tpu.memory_space<hbm>> -> memref<10000x128xf32, #tpu.memory_space<hbm>>
    tpu.enqueue_indirect_dma source(%dma_start3A_6 : memref<10000x128xf32, #tpu.memory_space<hbm>>) target(%arg9 : memref<80x128xf32, #tpu.memory_space<vmem>>) offsets(%dma_start3A_3 : memref<80xi32, #tpu.memory_space<vmem>>) semaphore(%arg15 : memref<!tpu.dma_semaphore, #tpu.memory_space<semaphore_mem>>)
    %dma_start3A_7 = arith.constant 0 : i32
    %dma_start3A_8 = tpu.memref_slice %arg8[%dma_start3A_7] : memref<10000xi32, #tpu.memory_space<vmem>> -> memref<80xi32, #tpu.memory_space<vmem>>
    %dma_start3A_9 = arith.constant 0 : i32
    %dma_start3A_10 = arith.constant 0 : i32
    %dma_start3A_11 = tpu.memref_slice %arg3[%dma_start3A_9, %dma_start3A_10] : memref<10000x128xf32, #tpu.memory_space<hbm>> -> memref<10000x128xf32, #tpu.memory_space<hbm>>
    tpu.enqueue_indirect_dma source(%dma_start3A_11 : memref<10000x128xf32, #tpu.memory_space<hbm>>) target(%arg10 : memref<80x128xf32, #tpu.memory_space<vmem>>) offsets(%dma_start3A_8 : memref<80xi32, #tpu.memory_space<vmem>>) semaphore(%arg16 : memref<!tpu.dma_semaphore, #tpu.memory_space<semaphore_mem>>)
    %dma_start3A_12 = arith.constant 80 : i32
    %dma_start3A_13 = tpu.memref_slice %arg7[%dma_start3A_12] : memref<10000xi32, #tpu.memory_space<vmem>> -> memref<80xi32, #tpu.memory_space<vmem>>
    %dma_start3A_14 = arith.constant 0 : i32
    %dma_start3A_15 = arith.constant 0 : i32
    %dma_start3A_16 = tpu.memref_slice %arg2[%dma_start3A_14, %dma_start3A_15] : memref<10000x128xf32, #tpu.memory_space<hbm>> -> memref<10000x128xf32, #tpu.memory_space<hbm>>
    tpu.enqueue_indirect_dma source(%dma_start3A_16 : memref<10000x128xf32, #tpu.memory_space<hbm>>) target(%arg11 : memref<80x128xf32, #tpu.memory_space<vmem>>) offsets(%dma_start3A_13 : memref<80xi32, #tpu.memory_space<vmem>>) semaphore(%arg17 : memref<!tpu.dma_semaphore, #tpu.memory_space<semaphore_mem>>)
    %dma_start3A_17 = arith.constant 80 : i32
    %dma_start3A_18 = tpu.memref_slice %arg8[%dma_start3A_17] : memref<10000xi32, #tpu.memory_space<vmem>> -> memref<80xi32, #tpu.memory_space<vmem>>
    %dma_start3A_19 = arith.constant 0 : i32
    %dma_start3A_20 = arith.constant 0 : i32
    %dma_start3A_21 = tpu.memref_slice %arg3[%dma_start3A_19, %dma_start3A_20] : memref<10000x128xf32, #tpu.memory_space<hbm>> -> memref<10000x128xf32, #tpu.memory_space<hbm>>
    tpu.enqueue_indirect_dma source(%dma_start3A_21 : memref<10000x128xf32, #tpu.memory_space<hbm>>) target(%arg12 : memref<80x128xf32, #tpu.memory_space<vmem>>) offsets(%dma_start3A_18 : memref<80xi32, #tpu.memory_space<vmem>>) semaphore(%arg18 : memref<!tpu.dma_semaphore, #tpu.memory_space<semaphore_mem>>)
    %scan3A = arith.constant 0 : i32
    %scan3A_22 = arith.constant 0 : i32
    %scan3A_23 = arith.constant 62 : i32
    %scan3A_24 = arith.addi %scan3A_22, %scan3A_23 : i32
    %scan3A_25 = arith.constant 1 : i32
    scf.for %scan3A_60 = %scan3A_22 to %scan3A_24 step %scan3A_25  : i32 {
      %mul3A_61 = arith.constant 2 : i32
      %mul3A_62 = arith.muli %mul3A_61, %scan3A_60 : i32
      %dma_wait3A_63 = arith.constant 0 : i32
      %dma_wait3A_64 = tpu.memref_slice %arg7[%dma_wait3A_63] : memref<10000xi32, #tpu.memory_space<vmem>> -> memref<80xi32, #tpu.memory_space<vmem>>
      %dma_wait3A_65 = arith.constant 0 : i32
      %dma_wait3A_66 = arith.constant 0 : i32
      %dma_wait3A_67 = tpu.memref_slice %arg2[%dma_wait3A_65, %dma_wait3A_66] : memref<10000x128xf32, #tpu.memory_space<hbm>> -> memref<10000x128xf32, #tpu.memory_space<hbm>>
      tpu.wait_indirect_dma semaphore(%arg15 : memref<!tpu.dma_semaphore, #tpu.memory_space<semaphore_mem>>) src(%dma_wait3A_67 : memref<10000x128xf32, #tpu.memory_space<hbm>>) dst(%arg9 : memref<80x128xf32, #tpu.memory_space<vmem>>)
      %dma_wait3A_68 = arith.constant 0 : i32
      %dma_wait3A_69 = tpu.memref_slice %arg8[%dma_wait3A_68] : memref<10000xi32, #tpu.memory_space<vmem>> -> memref<80xi32, #tpu.memory_space<vmem>>
      %dma_wait3A_70 = arith.constant 0 : i32
      %dma_wait3A_71 = arith.constant 0 : i32
      %dma_wait3A_72 = tpu.memref_slice %arg3[%dma_wait3A_70, %dma_wait3A_71] : memref<10000x128xf32, #tpu.memory_space<hbm>> -> memref<10000x128xf32, #tpu.memory_space<hbm>>
      tpu.wait_indirect_dma semaphore(%arg16 : memref<!tpu.dma_semaphore, #tpu.memory_space<semaphore_mem>>) src(%dma_wait3A_72 : memref<10000x128xf32, #tpu.memory_space<hbm>>) dst(%arg10 : memref<80x128xf32, #tpu.memory_space<vmem>>)
      %gt3A = arith.constant 0 : i32
      %gt3A_73 = arith.cmpi sgt, %scan3A_60, %gt3A : i32
      %convert_element_type3A = arith.extui %gt3A_73 : i1 to i32
      %cond3A = arith.constant 0 : i32
      %cond3A_74 = arith.cmpi ne, %convert_element_type3A, %cond3A : i32
      scf.if %cond3A_74 {
        %dma_wait3A_134 = arith.constant 0 : i32
        %dma_wait3A_135 = tpu.memref_slice %arg6[%mul3A_2, %dma_wait3A_134] : memref<320000x128xf32, #tpu.memory_space<hbm>> -> memref<80x128xf32, #tpu.memory_space<hbm>>
        %dma_wait3A_136 = arith.constant 0 : i32
        %dma_wait3A_137 = tpu.memref_slice %arg6[%mul3A_2, %dma_wait3A_136] : memref<320000x128xf32, #tpu.memory_space<hbm>> -> memref<80x128xf32, #tpu.memory_space<hbm>>
        tpu.wait_dma2 semaphore(%arg19 : memref<!tpu.dma_semaphore, #tpu.memory_space<semaphore_mem>>) src(%arg13 : memref<80x128xf32, #tpu.memory_space<vmem>>) dst(%dma_wait3A_137 : memref<80x128xf32, #tpu.memory_space<hbm>>)
      } else {
      }
      %scan3A_75 = arith.constant 0 : i32
      %scan3A_76 = arith.constant 0 : i32
      %scan3A_77 = arith.constant 80 : i32
      %scan3A_78 = arith.addi %scan3A_76, %scan3A_77 : i32
      %scan3A_79 = arith.constant 1 : i32
      scf.for %scan3A_134 = %scan3A_76 to %scan3A_78 step %scan3A_79  : i32 {
        %get3A = arith.index_cast %scan3A_134 : i32 to index
        %get3A_135 = arith.constant 0 : index
        %get3A_136 = tpu.vector_load %arg9[%get3A, %get3A_135] {strides = array<i32>} : memref<80x128xf32, #tpu.memory_space<vmem>>, vector<1x16xf32>,
        %get3A_137 = vector.shape_cast %get3A_136 : vector<1x16xf32> to vector<16xf32>
        %get3A_138 = arith.index_cast %scan3A_134 : i32 to index
        %get3A_139 = arith.constant 0 : index
        %get3A_140 = tpu.vector_load %arg10[%get3A_138, %get3A_139] {strides = array<i32>} : memref<80x128xf32, #tpu.memory_space<vmem>>, vector<1x16xf32>,
        %get3A_141 = vector.shape_cast %get3A_140 : vector<1x16xf32> to vector<16xf32>
        %add3A_142 = arith.addf %get3A_137, %get3A_141 : vector<16xf32>
        %max3A = arith.constant 0.000000e+00 : f32
        %max3A_143 = vector.broadcast %max3A : f32 to vector<16xf32>
        %max3A_144 = arith.maximumf %add3A_142, %max3A_143 : vector<16xf32>
        %swap3A = arith.index_cast %scan3A_134 : i32 to index
        %swap3A_145 = arith.constant 0 : index
        %swap3A_146 = tpu.vector_load %arg13[%swap3A, %swap3A_145] {strides = array<i32>} : memref<80x128xf32, #tpu.memory_space<vmem>>, vector<1x16xf32>,
        %swap3A_147 = vector.shape_cast %swap3A_146 : vector<1x16xf32> to vector<16xf32>
        %swap3A_148 = vector.shape_cast %max3A_144 : vector<16xf32> to vector<1x16xf32>
        tpu.vector_store %arg13[%swap3A, %swap3A_145], %swap3A_148 {strides = array<i32>} : memref<80x128xf32, #tpu.memory_space<vmem>>, vector<1x16xf32>,
        %get3A_149 = arith.index_cast %scan3A_134 : i32 to index
        %get3A_150 = arith.constant 16 : index
        %get3A_151 = tpu.vector_load %arg9[%get3A_149, %get3A_150] {strides = array<i32>} : memref<80x128xf32, #tpu.memory_space<vmem>>, vector<1x16xf32>,
        %get3A_152 = vector.shape_cast %get3A_151 : vector<1x16xf32> to vector<16xf32>
        %get3A_153 = arith.index_cast %scan3A_134 : i32 to index
        %get3A_154 = arith.constant 16 : index
        %get3A_155 = tpu.vector_load %arg10[%get3A_153, %get3A_154] {strides = array<i32>} : memref<80x128xf32, #tpu.memory_space<vmem>>, vector<1x16xf32>,
        %get3A_156 = vector.shape_cast %get3A_155 : vector<1x16xf32> to vector<16xf32>
        %add3A_157 = arith.addf %get3A_152, %get3A_156 : vector<16xf32>
        %max3A_158 = arith.constant 0.000000e+00 : f32
        %max3A_159 = vector.broadcast %max3A_158 : f32 to vector<16xf32>
        %max3A_160 = arith.maximumf %add3A_157, %max3A_159 : vector<16xf32>
        %swap3A_161 = arith.index_cast %scan3A_134 : i32 to index
        %swap3A_162 = arith.constant 16 : index
        %swap3A_163 = tpu.vector_load %arg13[%swap3A_161, %swap3A_162] {strides = array<i32>} : memref<80x128xf32, #tpu.memory_space<vmem>>, vector<1x16xf32>,
        %swap3A_164 = vector.shape_cast %swap3A_163 : vector<1x16xf32> to vector<16xf32>
        %swap3A_165 = vector.shape_cast %max3A_160 : vector<16xf32> to vector<1x16xf32>
        tpu.vector_store %arg13[%swap3A_161, %swap3A_162], %swap3A_165 {strides = array<i32>} : memref<80x128xf32, #tpu.memory_space<vmem>>, vector<1x16xf32>,
        %get3A_166 = arith.index_cast %scan3A_134 : i32 to index
        %get3A_167 = arith.constant 32 : index
        %get3A_168 = tpu.vector_load %arg9[%get3A_166, %get3A_167] {strides = array<i32>} : memref<80x128xf32, #tpu.memory_space<vmem>>, vector<1x16xf32>,
        %get3A_169 = vector.shape_cast %get3A_168 : vector<1x16xf32> to vector<16xf32>
        %get3A_170 = arith.index_cast %scan3A_134 : i32 to index
        %get3A_171 = arith.constant 32 : index
        %get3A_172 = tpu.vector_load %arg10[%get3A_170, %get3A_171] {strides = array<i32>} : memref<80x128xf32, #tpu.memory_space<vmem>>, vector<1x16xf32>,
        %get3A_173 = vector.shape_cast %get3A_172 : vector<1x16xf32> to vector<16xf32>
        %add3A_174 = arith.addf %get3A_169, %get3A_173 : vector<16xf32>
        %max3A_175 = arith.constant 0.000000e+00 : f32
        %max3A_176 = vector.broadcast %max3A_175 : f32 to vector<16xf32>
        %max3A_177 = arith.maximumf %add3A_174, %max3A_176 : vector<16xf32>
        %swap3A_178 = arith.index_cast %scan3A_134 : i32 to index
        %swap3A_179 = arith.constant 32 : index
        %swap3A_180 = tpu.vector_load %arg13[%swap3A_178, %swap3A_179] {strides = array<i32>} : memref<80x128xf32, #tpu.memory_space<vmem>>, vector<1x16xf32>,
        %swap3A_181 = vector.shape_cast %swap3A_180 : vector<1x16xf32> to vector<16xf32>
        %swap3A_182 = vector.shape_cast %max3A_177 : vector<16xf32> to vector<1x16xf32>
        tpu.vector_store %arg13[%swap3A_178, %swap3A_179], %swap3A_182 {strides = array<i32>} : memref<80x128xf32, #tpu.memory_space<vmem>>, vector<1x16xf32>,
        %get3A_183 = arith.index_cast %scan3A_134 : i32 to index
        %get3A_184 = arith.constant 48 : index
        %get3A_185 = tpu.vector_load %arg9[%get3A_183, %get3A_184] {strides = array<i32>} : memref<80x128xf32, #tpu.memory_space<vmem>>, vector<1x16xf32>,
        %get3A_186 = vector.shape_cast %get3A_185 : vector<1x16xf32> to vector<16xf32>
        %get3A_187 = arith.index_cast %scan3A_134 : i32 to index
        %get3A_188 = arith.constant 48 : index
        %get3A_189 = tpu.vector_load %arg10[%get3A_187, %get3A_188] {strides = array<i32>} : memref<80x128xf32, #tpu.memory_space<vmem>>, vector<1x16xf32>,
        %get3A_190 = vector.shape_cast %get3A_189 : vector<1x16xf32> to vector<16xf32>
        %add3A_191 = arith.addf %get3A_186, %get3A_190 : vector<16xf32>
        %max3A_192 = arith.constant 0.000000e+00 : f32
        %max3A_193 = vector.broadcast %max3A_192 : f32 to vector<16xf32>
        %max3A_194 = arith.maximumf %add3A_191, %max3A_193 : vector<16xf32>
        %swap3A_195 = arith.index_cast %scan3A_134 : i32 to index
        %swap3A_196 = arith.constant 48 : index
        %swap3A_197 = tpu.vector_load %arg13[%swap3A_195, %swap3A_196] {strides = array<i32>} : memref<80x128xf32, #tpu.memory_space<vmem>>, vector<1x16xf32>,
        %swap3A_198 = vector.shape_cast %swap3A_197 : vector<1x16xf32> to vector<16xf32>
        %swap3A_199 = vector.shape_cast %max3A_194 : vector<16xf32> to vector<1x16xf32>
        tpu.vector_store %arg13[%swap3A_195, %swap3A_196], %swap3A_199 {strides = array<i32>} : memref<80x128xf32, #tpu.memory_space<vmem>>, vector<1x16xf32>,
        %get3A_200 = arith.index_cast %scan3A_134 : i32 to index
        %get3A_201 = arith.constant 64 : index
        %get3A_202 = tpu.vector_load %arg9[%get3A_200, %get3A_201] {strides = array<i32>} : memref<80x128xf32, #tpu.memory_space<vmem>>, vector<1x16xf32>,
        %get3A_203 = vector.shape_cast %get3A_202 : vector<1x16xf32> to vector<16xf32>
        %get3A_204 = arith.index_cast %scan3A_134 : i32 to index
        %get3A_205 = arith.constant 64 : index
        %get3A_206 = tpu.vector_load %arg10[%get3A_204, %get3A_205] {strides = array<i32>} : memref<80x128xf32, #tpu.memory_space<vmem>>, vector<1x16xf32>,
        %get3A_207 = vector.shape_cast %get3A_206 : vector<1x16xf32> to vector<16xf32>
        %add3A_208 = arith.addf %get3A_203, %get3A_207 : vector<16xf32>
        %max3A_209 = arith.constant 0.000000e+00 : f32
        %max3A_210 = vector.broadcast %max3A_209 : f32 to vector<16xf32>
        %max3A_211 = arith.maximumf %add3A_208, %max3A_210 : vector<16xf32>
        %swap3A_212 = arith.index_cast %scan3A_134 : i32 to index
        %swap3A_213 = arith.constant 64 : index
        %swap3A_214 = tpu.vector_load %arg13[%swap3A_212, %swap3A_213] {strides = array<i32>} : memref<80x128xf32, #tpu.memory_space<vmem>>, vector<1x16xf32>,
        %swap3A_215 = vector.shape_cast %swap3A_214 : vector<1x16xf32> to vector<16xf32>
        %swap3A_216 = vector.shape_cast %max3A_211 : vector<16xf32> to vector<1x16xf32>
        tpu.vector_store %arg13[%swap3A_212, %swap3A_213], %swap3A_216 {strides = array<i32>} : memref<80x128xf32, #tpu.memory_space<vmem>>, vector<1x16xf32>,
        %get3A_217 = arith.index_cast %scan3A_134 : i32 to index
        %get3A_218 = arith.constant 80 : index
        %get3A_219 = tpu.vector_load %arg9[%get3A_217, %get3A_218] {strides = array<i32>} : memref<80x128xf32, #tpu.memory_space<vmem>>, vector<1x16xf32>,
        %get3A_220 = vector.shape_cast %get3A_219 : vector<1x16xf32> to vector<16xf32>
        %get3A_221 = arith.index_cast %scan3A_134 : i32 to index
        %get3A_222 = arith.constant 80 : index
        %get3A_223 = tpu.vector_load %arg10[%get3A_221, %get3A_222] {strides = array<i32>} : memref<80x128xf32, #tpu.memory_space<vmem>>, vector<1x16xf32>,
        %get3A_224 = vector.shape_cast %get3A_223 : vector<1x16xf32> to vector<16xf32>
        %add3A_225 = arith.addf %get3A_220, %get3A_224 : vector<16xf32>
        %max3A_226 = arith.constant 0.000000e+00 : f32
        %max3A_227 = vector.broadcast %max3A_226 : f32 to vector<16xf32>
        %max3A_228 = arith.maximumf %add3A_225, %max3A_227 : vector<16xf32>
        %swap3A_229 = arith.index_cast %scan3A_134 : i32 to index
        %swap3A_230 = arith.constant 80 : index
        %swap3A_231 = tpu.vector_load %arg13[%swap3A_229, %swap3A_230] {strides = array<i32>} : memref<80x128xf32, #tpu.memory_space<vmem>>, vector<1x16xf32>,
        %swap3A_232 = vector.shape_cast %swap3A_231 : vector<1x16xf32> to vector<16xf32>
        %swap3A_233 = vector.shape_cast %max3A_228 : vector<16xf32> to vector<1x16xf32>
        tpu.vector_store %arg13[%swap3A_229, %swap3A_230], %swap3A_233 {strides = array<i32>} : memref<80x128xf32, #tpu.memory_space<vmem>>, vector<1x16xf32>,
        %get3A_234 = arith.index_cast %scan3A_134 : i32 to index
        %get3A_235 = arith.constant 96 : index
        %get3A_236 = tpu.vector_load %arg9[%get3A_234, %get3A_235] {strides = array<i32>} : memref<80x128xf32, #tpu.memory_space<vmem>>, vector<1x16xf32>,
        %get3A_237 = vector.shape_cast %get3A_236 : vector<1x16xf32> to vector<16xf32>
        %get3A_238 = arith.index_cast %scan3A_134 : i32 to index
        %get3A_239 = arith.constant 96 : index
        %get3A_240 = tpu.vector_load %arg10[%get3A_238, %get3A_239] {strides = array<i32>} : memref<80x128xf32, #tpu.memory_space<vmem>>, vector<1x16xf32>,
        %get3A_241 = vector.shape_cast %get3A_240 : vector<1x16xf32> to vector<16xf32>
        %add3A_242 = arith.addf %get3A_237, %get3A_241 : vector<16xf32>
        %max3A_243 = arith.constant 0.000000e+00 : f32
        %max3A_244 = vector.broadcast %max3A_243 : f32 to vector<16xf32>
        %max3A_245 = arith.maximumf %add3A_242, %max3A_244 : vector<16xf32>
        %swap3A_246 = arith.index_cast %scan3A_134 : i32 to index
        %swap3A_247 = arith.constant 96 : index
        %swap3A_248 = tpu.vector_load %arg13[%swap3A_246, %swap3A_247] {strides = array<i32>} : memref<80x128xf32, #tpu.memory_space<vmem>>, vector<1x16xf32>,
        %swap3A_249 = vector.shape_cast %swap3A_248 : vector<1x16xf32> to vector<16xf32>
        %swap3A_250 = vector.shape_cast %max3A_245 : vector<16xf32> to vector<1x16xf32>
        tpu.vector_store %arg13[%swap3A_246, %swap3A_247], %swap3A_250 {strides = array<i32>} : memref<80x128xf32, #tpu.memory_space<vmem>>, vector<1x16xf32>,
        %get3A_251 = arith.index_cast %scan3A_134 : i32 to index
        %get3A_252 = arith.constant 112 : index
        %get3A_253 = tpu.vector_load %arg9[%get3A_251, %get3A_252] {strides = array<i32>} : memref<80x128xf32, #tpu.memory_space<vmem>>, vector<1x16xf32>,
        %get3A_254 = vector.shape_cast %get3A_253 : vector<1x16xf32> to vector<16xf32>
        %get3A_255 = arith.index_cast %scan3A_134 : i32 to index
        %get3A_256 = arith.constant 112 : index
        %get3A_257 = tpu.vector_load %arg10[%get3A_255, %get3A_256] {strides = array<i32>} : memref<80x128xf32, #tpu.memory_space<vmem>>, vector<1x16xf32>,
        %get3A_258 = vector.shape_cast %get3A_257 : vector<1x16xf32> to vector<16xf32>
        %add3A_259 = arith.addf %get3A_254, %get3A_258 : vector<16xf32>
        %max3A_260 = arith.constant 0.000000e+00 : f32
        %max3A_261 = vector.broadcast %max3A_260 : f32 to vector<16xf32>
        %max3A_262 = arith.maximumf %add3A_259, %max3A_261 : vector<16xf32>
        %swap3A_263 = arith.index_cast %scan3A_134 : i32 to index
        %swap3A_264 = arith.constant 112 : index
        %swap3A_265 = tpu.vector_load %arg13[%swap3A_263, %swap3A_264] {strides = array<i32>} : memref<80x128xf32, #tpu.memory_space<vmem>>, vector<1x16xf32>,
        %swap3A_266 = vector.shape_cast %swap3A_265 : vector<1x16xf32> to vector<16xf32>
        %swap3A_267 = vector.shape_cast %max3A_262 : vector<16xf32> to vector<1x16xf32>
        tpu.vector_store %arg13[%swap3A_263, %swap3A_264], %swap3A_267 {strides = array<i32>} : memref<80x128xf32, #tpu.memory_space<vmem>>, vector<1x16xf32>,
      }
      %scan3A_80 = arith.constant 80 : i32
      %mul3A_81 = arith.constant 80 : i32
      %mul3A_82 = arith.muli %mul3A_62, %mul3A_81 : i32
      %add3A_83 = arith.addi %mul3A_2, %mul3A_82 : i32
      %dma_start3A_84 = arith.constant 0 : i32
      %dma_start3A_85 = tpu.memref_slice %arg6[%add3A_83, %dma_start3A_84] : memref<320000x128xf32, #tpu.memory_space<hbm>> -> memref<80x128xf32, #tpu.memory_space<hbm>>
      %dma_start3A_86 = arith.constant 0 : i32
      %dma_start3A_87 = tpu.memref_slice %arg6[%add3A_83, %dma_start3A_86] : memref<320000x128xf32, #tpu.memory_space<hbm>> -> memref<80x128xf32, #tpu.memory_space<hbm>>
      tpu.enqueue_dma source(%arg13 : memref<80x128xf32, #tpu.memory_space<vmem>>) target(%dma_start3A_87 : memref<80x128xf32, #tpu.memory_space<hbm>>) target_semaphore(%arg19 : memref<!tpu.dma_semaphore, #tpu.memory_space<semaphore_mem>>)
      %add3A_88 = arith.constant 2 : i32
      %add3A_89 = arith.addi %mul3A_62, %add3A_88 : i32
      %mul3A_90 = arith.constant 80 : i32
      %mul3A_91 = arith.muli %add3A_89, %mul3A_90 : i32
      %dma_start3A_92 = tpu.memref_slice %arg7[%mul3A_91] : memref<10000xi32, #tpu.memory_space<vmem>> -> memref<80xi32, #tpu.memory_space<vmem>>
      %dma_start3A_93 = arith.constant 0 : i32
      %dma_start3A_94 = arith.constant 0 : i32
      %dma_start3A_95 = tpu.memref_slice %arg2[%dma_start3A_93, %dma_start3A_94] : memref<10000x128xf32, #tpu.memory_space<hbm>> -> memref<10000x128xf32, #tpu.memory_space<hbm>>
      tpu.enqueue_indirect_dma source(%dma_start3A_95 : memref<10000x128xf32, #tpu.memory_space<hbm>>) target(%arg9 : memref<80x128xf32, #tpu.memory_space<vmem>>) offsets(%dma_start3A_92 : memref<80xi32, #tpu.memory_space<vmem>>) semaphore(%arg15 : memref<!tpu.dma_semaphore, #tpu.memory_space<semaphore_mem>>)
      %dma_start3A_96 = tpu.memref_slice %arg8[%mul3A_91] : memref<10000xi32, #tpu.memory_space<vmem>> -> memref<80xi32, #tpu.memory_space<vmem>>
      %dma_start3A_97 = arith.constant 0 : i32
      %dma_start3A_98 = arith.constant 0 : i32
      %dma_start3A_99 = tpu.memref_slice %arg3[%dma_start3A_97, %dma_start3A_98] : memref<10000x128xf32, #tpu.memory_space<hbm>> -> memref<10000x128xf32, #tpu.memory_space<hbm>>
      tpu.enqueue_indirect_dma source(%dma_start3A_99 : memref<10000x128xf32, #tpu.memory_space<hbm>>) target(%arg10 : memref<80x128xf32, #tpu.memory_space<vmem>>) offsets(%dma_start3A_96 : memref<80xi32, #tpu.memory_space<vmem>>) semaphore(%arg16 : memref<!tpu.dma_semaphore, #tpu.memory_space<semaphore_mem>>)
      %dma_wait3A_100 = arith.constant 0 : i32
      %dma_wait3A_101 = tpu.memref_slice %arg7[%dma_wait3A_100] : memref<10000xi32, #tpu.memory_space<vmem>> -> memref<80xi32, #tpu.memory_space<vmem>>
      %dma_wait3A_102 = arith.constant 0 : i32
      %dma_wait3A_103 = arith.constant 0 : i32
      %dma_wait3A_104 = tpu.memref_slice %arg2[%dma_wait3A_102, %dma_wait3A_103] : memref<10000x128xf32, #tpu.memory_space<hbm>> -> memref<10000x128xf32, #tpu.memory_space<hbm>>
      tpu.wait_indirect_dma semaphore(%arg17 : memref<!tpu.dma_semaphore, #tpu.memory_space<semaphore_mem>>) src(%dma_wait3A_104 : memref<10000x128xf32, #tpu.memory_space<hbm>>) dst(%arg11 : memref<80x128xf32, #tpu.memory_space<vmem>>)
      %dma_wait3A_105 = arith.constant 0 : i32
      %dma_wait3A_106 = tpu.memref_slice %arg8[%dma_wait3A_105] : memref<10000xi32, #tpu.memory_space<vmem>> -> memref<80xi32, #tpu.memory_space<vmem>>
      %dma_wait3A_107 = arith.constant 0 : i32
      %dma_wait3A_108 = arith.constant 0 : i32
      %dma_wait3A_109 = tpu.memref_slice %arg3[%dma_wait3A_107, %dma_wait3A_108] : memref<10000x128xf32, #tpu.memory_space<hbm>> -> memref<10000x128xf32, #tpu.memory_space<hbm>>
      tpu.wait_indirect_dma semaphore(%arg18 : memref<!tpu.dma_semaphore, #tpu.memory_space<semaphore_mem>>) src(%dma_wait3A_109 : memref<10000x128xf32, #tpu.memory_space<hbm>>) dst(%arg12 : memref<80x128xf32, #tpu.memory_space<vmem>>)
      %gt3A_110 = arith.constant 0 : i32
      %gt3A_111 = arith.cmpi sgt, %scan3A_60, %gt3A_110 : i32
      %convert_element_type3A_112 = arith.extui %gt3A_111 : i1 to i32
      %cond3A_113 = arith.constant 0 : i32
      %cond3A_114 = arith.cmpi ne, %convert_element_type3A_112, %cond3A_113 : i32
      scf.if %cond3A_114 {
        %dma_wait3A_134 = arith.constant 0 : i32
        %dma_wait3A_135 = tpu.memref_slice %arg6[%mul3A_2, %dma_wait3A_134] : memref<320000x128xf32, #tpu.memory_space<hbm>> -> memref<80x128xf32, #tpu.memory_space<hbm>>
        %dma_wait3A_136 = arith.constant 0 : i32
        %dma_wait3A_137 = tpu.memref_slice %arg6[%mul3A_2, %dma_wait3A_136] : memref<320000x128xf32, #tpu.memory_space<hbm>> -> memref<80x128xf32, #tpu.memory_space<hbm>>
        tpu.wait_dma2 semaphore(%arg20 : memref<!tpu.dma_semaphore, #tpu.memory_space<semaphore_mem>>) src(%arg14 : memref<80x128xf32, #tpu.memory_space<vmem>>) dst(%dma_wait3A_137 : memref<80x128xf32, #tpu.memory_space<hbm>>)
      } else {
      }
      %add3A_115 = arith.constant 1 : i32
      %add3A_116 = arith.addi %mul3A_62, %add3A_115 : i32
      %scan3A_117 = arith.constant 0 : i32
      %scan3A_118 = arith.constant 0 : i32
      %scan3A_119 = arith.constant 80 : i32
      %scan3A_120 = arith.addi %scan3A_118, %scan3A_119 : i32
      %scan3A_121 = arith.constant 1 : i32
      scf.for %scan3A_134 = %scan3A_118 to %scan3A_120 step %scan3A_121  : i32 {
        %get3A = arith.index_cast %scan3A_134 : i32 to index
        %get3A_135 = arith.constant 0 : index
        %get3A_136 = tpu.vector_load %arg11[%get3A, %get3A_135] {strides = array<i32>} : memref<80x128xf32, #tpu.memory_space<vmem>>, vector<1x16xf32>,
        %get3A_137 = vector.shape_cast %get3A_136 : vector<1x16xf32> to vector<16xf32>
        %get3A_138 = arith.index_cast %scan3A_134 : i32 to index
        %get3A_139 = arith.constant 0 : index
        %get3A_140 = tpu.vector_load %arg12[%get3A_138, %get3A_139] {strides = array<i32>} : memref<80x128xf32, #tpu.memory_space<vmem>>, vector<1x16xf32>,
        %get3A_141 = vector.shape_cast %get3A_140 : vector<1x16xf32> to vector<16xf32>
        %add3A_142 = arith.addf %get3A_137, %get3A_141 : vector<16xf32>
        %max3A = arith.constant 0.000000e+00 : f32
        %max3A_143 = vector.broadcast %max3A : f32 to vector<16xf32>
        %max3A_144 = arith.maximumf %add3A_142, %max3A_143 : vector<16xf32>
        %swap3A = arith.index_cast %scan3A_134 : i32 to index
        %swap3A_145 = arith.constant 0 : index
        %swap3A_146 = tpu.vector_load %arg14[%swap3A, %swap3A_145] {strides = array<i32>} : memref<80x128xf32, #tpu.memory_space<vmem>>, vector<1x16xf32>,
        %swap3A_147 = vector.shape_cast %swap3A_146 : vector<1x16xf32> to vector<16xf32>
        %swap3A_148 = vector.shape_cast %max3A_144 : vector<16xf32> to vector<1x16xf32>
        tpu.vector_store %arg14[%swap3A, %swap3A_145], %swap3A_148 {strides = array<i32>} : memref<80x128xf32, #tpu.memory_space<vmem>>, vector<1x16xf32>,
        %get3A_149 = arith.index_cast %scan3A_134 : i32 to index
        %get3A_150 = arith.constant 16 : index
        %get3A_151 = tpu.vector_load %arg11[%get3A_149, %get3A_150] {strides = array<i32>} : memref<80x128xf32, #tpu.memory_space<vmem>>, vector<1x16xf32>,
        %get3A_152 = vector.shape_cast %get3A_151 : vector<1x16xf32> to vector<16xf32>
        %get3A_153 = arith.index_cast %scan3A_134 : i32 to index
        %get3A_154 = arith.constant 16 : index
        %get3A_155 = tpu.vector_load %arg12[%get3A_153, %get3A_154] {strides = array<i32>} : memref<80x128xf32, #tpu.memory_space<vmem>>, vector<1x16xf32>,
        %get3A_156 = vector.shape_cast %get3A_155 : vector<1x16xf32> to vector<16xf32>
        %add3A_157 = arith.addf %get3A_152, %get3A_156 : vector<16xf32>
        %max3A_158 = arith.constant 0.000000e+00 : f32
        %max3A_159 = vector.broadcast %max3A_158 : f32 to vector<16xf32>
        %max3A_160 = arith.maximumf %add3A_157, %max3A_159 : vector<16xf32>
        %swap3A_161 = arith.index_cast %scan3A_134 : i32 to index
        %swap3A_162 = arith.constant 16 : index
        %swap3A_163 = tpu.vector_load %arg14[%swap3A_161, %swap3A_162] {strides = array<i32>} : memref<80x128xf32, #tpu.memory_space<vmem>>, vector<1x16xf32>,
        %swap3A_164 = vector.shape_cast %swap3A_163 : vector<1x16xf32> to vector<16xf32>
        %swap3A_165 = vector.shape_cast %max3A_160 : vector<16xf32> to vector<1x16xf32>
        tpu.vector_store %arg14[%swap3A_161, %swap3A_162], %swap3A_165 {strides = array<i32>} : memref<80x128xf32, #tpu.memory_space<vmem>>, vector<1x16xf32>,
        %get3A_166 = arith.index_cast %scan3A_134 : i32 to index
        %get3A_167 = arith.constant 32 : index
        %get3A_168 = tpu.vector_load %arg11[%get3A_166, %get3A_167] {strides = array<i32>} : memref<80x128xf32, #tpu.memory_space<vmem>>, vector<1x16xf32>,
        %get3A_169 = vector.shape_cast %get3A_168 : vector<1x16xf32> to vector<16xf32>
        %get3A_170 = arith.index_cast %scan3A_134 : i32 to index
        %get3A_171 = arith.constant 32 : index
        %get3A_172 = tpu.vector_load %arg12[%get3A_170, %get3A_171] {strides = array<i32>} : memref<80x128xf32, #tpu.memory_space<vmem>>, vector<1x16xf32>,
        %get3A_173 = vector.shape_cast %get3A_172 : vector<1x16xf32> to vector<16xf32>
        %add3A_174 = arith.addf %get3A_169, %get3A_173 : vector<16xf32>
        %max3A_175 = arith.constant 0.000000e+00 : f32
        %max3A_176 = vector.broadcast %max3A_175 : f32 to vector<16xf32>
        %max3A_177 = arith.maximumf %add3A_174, %max3A_176 : vector<16xf32>
        %swap3A_178 = arith.index_cast %scan3A_134 : i32 to index
        %swap3A_179 = arith.constant 32 : index
        %swap3A_180 = tpu.vector_load %arg14[%swap3A_178, %swap3A_179] {strides = array<i32>} : memref<80x128xf32, #tpu.memory_space<vmem>>, vector<1x16xf32>,
        %swap3A_181 = vector.shape_cast %swap3A_180 : vector<1x16xf32> to vector<16xf32>
        %swap3A_182 = vector.shape_cast %max3A_177 : vector<16xf32> to vector<1x16xf32>
        tpu.vector_store %arg14[%swap3A_178, %swap3A_179], %swap3A_182 {strides = array<i32>} : memref<80x128xf32, #tpu.memory_space<vmem>>, vector<1x16xf32>,
        %get3A_183 = arith.index_cast %scan3A_134 : i32 to index
        %get3A_184 = arith.constant 48 : index
        %get3A_185 = tpu.vector_load %arg11[%get3A_183, %get3A_184] {strides = array<i32>} : memref<80x128xf32, #tpu.memory_space<vmem>>, vector<1x16xf32>,
        %get3A_186 = vector.shape_cast %get3A_185 : vector<1x16xf32> to vector<16xf32>
        %get3A_187 = arith.index_cast %scan3A_134 : i32 to index
        %get3A_188 = arith.constant 48 : index
        %get3A_189 = tpu.vector_load %arg12[%get3A_187, %get3A_188] {strides = array<i32>} : memref<80x128xf32, #tpu.memory_space<vmem>>, vector<1x16xf32>,
        %get3A_190 = vector.shape_cast %get3A_189 : vector<1x16xf32> to vector<16xf32>
        %add3A_191 = arith.addf %get3A_186, %get3A_190 : vector<16xf32>
        %max3A_192 = arith.constant 0.000000e+00 : f32
        %max3A_193 = vector.broadcast %max3A_192 : f32 to vector<16xf32>
        %max3A_194 = arith.maximumf %add3A_191, %max3A_193 : vector<16xf32>
        %swap3A_195 = arith.index_cast %scan3A_134 : i32 to index
        %swap3A_196 = arith.constant 48 : index
        %swap3A_197 = tpu.vector_load %arg14[%swap3A_195, %swap3A_196] {strides = array<i32>} : memref<80x128xf32, #tpu.memory_space<vmem>>, vector<1x16xf32>,
        %swap3A_198 = vector.shape_cast %swap3A_197 : vector<1x16xf32> to vector<16xf32>
        %swap3A_199 = vector.shape_cast %max3A_194 : vector<16xf32> to vector<1x16xf32>
        tpu.vector_store %arg14[%swap3A_195, %swap3A_196], %swap3A_199 {strides = array<i32>} : memref<80x128xf32, #tpu.memory_space<vmem>>, vector<1x16xf32>,
        %get3A_200 = arith.index_cast %scan3A_134 : i32 to index
        %get3A_201 = arith.constant 64 : index
        %get3A_202 = tpu.vector_load %arg11[%get3A_200, %get3A_201] {strides = array<i32>} : memref<80x128xf32, #tpu.memory_space<vmem>>, vector<1x16xf32>,
        %get3A_203 = vector.shape_cast %get3A_202 : vector<1x16xf32> to vector<16xf32>
        %get3A_204 = arith.index_cast %scan3A_134 : i32 to index
        %get3A_205 = arith.constant 64 : index
        %get3A_206 = tpu.vector_load %arg12[%get3A_204, %get3A_205] {strides = array<i32>} : memref<80x128xf32, #tpu.memory_space<vmem>>, vector<1x16xf32>,
        %get3A_207 = vector.shape_cast %get3A_206 : vector<1x16xf32> to vector<16xf32>
        %add3A_208 = arith.addf %get3A_203, %get3A_207 : vector<16xf32>
        %max3A_209 = arith.constant 0.000000e+00 : f32
        %max3A_210 = vector.broadcast %max3A_209 : f32 to vector<16xf32>
        %max3A_211 = arith.maximumf %add3A_208, %max3A_210 : vector<16xf32>
        %swap3A_212 = arith.index_cast %scan3A_134 : i32 to index
        %swap3A_213 = arith.constant 64 : index
        %swap3A_214 = tpu.vector_load %arg14[%swap3A_212, %swap3A_213] {strides = array<i32>} : memref<80x128xf32, #tpu.memory_space<vmem>>, vector<1x16xf32>,
        %swap3A_215 = vector.shape_cast %swap3A_214 : vector<1x16xf32> to vector<16xf32>
        %swap3A_216 = vector.shape_cast %max3A_211 : vector<16xf32> to vector<1x16xf32>
        tpu.vector_store %arg14[%swap3A_212, %swap3A_213], %swap3A_216 {strides = array<i32>} : memref<80x128xf32, #tpu.memory_space<vmem>>, vector<1x16xf32>,
        %get3A_217 = arith.index_cast %scan3A_134 : i32 to index
        %get3A_218 = arith.constant 80 : index
        %get3A_219 = tpu.vector_load %arg11[%get3A_217, %get3A_218] {strides = array<i32>} : memref<80x128xf32, #tpu.memory_space<vmem>>, vector<1x16xf32>,
        %get3A_220 = vector.shape_cast %get3A_219 : vector<1x16xf32> to vector<16xf32>
        %get3A_221 = arith.index_cast %scan3A_134 : i32 to index
        %get3A_222 = arith.constant 80 : index
        %get3A_223 = tpu.vector_load %arg12[%get3A_221, %get3A_222] {strides = array<i32>} : memref<80x128xf32, #tpu.memory_space<vmem>>, vector<1x16xf32>,
        %get3A_224 = vector.shape_cast %get3A_223 : vector<1x16xf32> to vector<16xf32>
        %add3A_225 = arith.addf %get3A_220, %get3A_224 : vector<16xf32>
        %max3A_226 = arith.constant 0.000000e+00 : f32
        %max3A_227 = vector.broadcast %max3A_226 : f32 to vector<16xf32>
        %max3A_228 = arith.maximumf %add3A_225, %max3A_227 : vector<16xf32>
        %swap3A_229 = arith.index_cast %scan3A_134 : i32 to index
        %swap3A_230 = arith.constant 80 : index
        %swap3A_231 = tpu.vector_load %arg14[%swap3A_229, %swap3A_230] {strides = array<i32>} : memref<80x128xf32, #tpu.memory_space<vmem>>, vector<1x16xf32>,
        %swap3A_232 = vector.shape_cast %swap3A_231 : vector<1x16xf32> to vector<16xf32>
        %swap3A_233 = vector.shape_cast %max3A_228 : vector<16xf32> to vector<1x16xf32>
        tpu.vector_store %arg14[%swap3A_229, %swap3A_230], %swap3A_233 {strides = array<i32>} : memref<80x128xf32, #tpu.memory_space<vmem>>, vector<1x16xf32>,
        %get3A_234 = arith.index_cast %scan3A_134 : i32 to index
        %get3A_235 = arith.constant 96 : index
        %get3A_236 = tpu.vector_load %arg11[%get3A_234, %get3A_235] {strides = array<i32>} : memref<80x128xf32, #tpu.memory_space<vmem>>, vector<1x16xf32>,
        %get3A_237 = vector.shape_cast %get3A_236 : vector<1x16xf32> to vector<16xf32>
        %get3A_238 = arith.index_cast %scan3A_134 : i32 to index
        %get3A_239 = arith.constant 96 : index
        %get3A_240 = tpu.vector_load %arg12[%get3A_238, %get3A_239] {strides = array<i32>} : memref<80x128xf32, #tpu.memory_space<vmem>>, vector<1x16xf32>,
        %get3A_241 = vector.shape_cast %get3A_240 : vector<1x16xf32> to vector<16xf32>
        %add3A_242 = arith.addf %get3A_237, %get3A_241 : vector<16xf32>
        %max3A_243 = arith.constant 0.000000e+00 : f32
        %max3A_244 = vector.broadcast %max3A_243 : f32 to vector<16xf32>
        %max3A_245 = arith.maximumf %add3A_242, %max3A_244 : vector<16xf32>
        %swap3A_246 = arith.index_cast %scan3A_134 : i32 to index
        %swap3A_247 = arith.constant 96 : index
        %swap3A_248 = tpu.vector_load %arg14[%swap3A_246, %swap3A_247] {strides = array<i32>} : memref<80x128xf32, #tpu.memory_space<vmem>>, vector<1x16xf32>,
        %swap3A_249 = vector.shape_cast %swap3A_248 : vector<1x16xf32> to vector<16xf32>
        %swap3A_250 = vector.shape_cast %max3A_245 : vector<16xf32> to vector<1x16xf32>
        tpu.vector_store %arg14[%swap3A_246, %swap3A_247], %swap3A_250 {strides = array<i32>} : memref<80x128xf32, #tpu.memory_space<vmem>>, vector<1x16xf32>,
        %get3A_251 = arith.index_cast %scan3A_134 : i32 to index
        %get3A_252 = arith.constant 112 : index
        %get3A_253 = tpu.vector_load %arg11[%get3A_251, %get3A_252] {strides = array<i32>} : memref<80x128xf32, #tpu.memory_space<vmem>>, vector<1x16xf32>,
        %get3A_254 = vector.shape_cast %get3A_253 : vector<1x16xf32> to vector<16xf32>
        %get3A_255 = arith.index_cast %scan3A_134 : i32 to index
        %get3A_256 = arith.constant 112 : index
        %get3A_257 = tpu.vector_load %arg12[%get3A_255, %get3A_256] {strides = array<i32>} : memref<80x128xf32, #tpu.memory_space<vmem>>, vector<1x16xf32>,
        %get3A_258 = vector.shape_cast %get3A_257 : vector<1x16xf32> to vector<16xf32>
        %add3A_259 = arith.addf %get3A_254, %get3A_258 : vector<16xf32>
        %max3A_260 = arith.constant 0.000000e+00 : f32
        %max3A_261 = vector.broadcast %max3A_260 : f32 to vector<16xf32>
        %max3A_262 = arith.maximumf %add3A_259, %max3A_261 : vector<16xf32>
        %swap3A_263 = arith.index_cast %scan3A_134 : i32 to index
        %swap3A_264 = arith.constant 112 : index
        %swap3A_265 = tpu.vector_load %arg14[%swap3A_263, %swap3A_264] {strides = array<i32>} : memref<80x128xf32, #tpu.memory_space<vmem>>, vector<1x16xf32>,
        %swap3A_266 = vector.shape_cast %swap3A_265 : vector<1x16xf32> to vector<16xf32>
        %swap3A_267 = vector.shape_cast %max3A_262 : vector<16xf32> to vector<1x16xf32>
        tpu.vector_store %arg14[%swap3A_263, %swap3A_264], %swap3A_267 {strides = array<i32>} : memref<80x128xf32, #tpu.memory_space<vmem>>, vector<1x16xf32>,
      }
      %scan3A_122 = arith.constant 80 : i32
      %mul3A_123 = arith.constant 80 : i32
      %mul3A_124 = arith.muli %add3A_116, %mul3A_123 : i32
      %add3A_125 = arith.addi %mul3A_2, %mul3A_124 : i32
      %dma_start3A_126 = arith.constant 0 : i32
      %dma_start3A_127 = tpu.memref_slice %arg6[%add3A_125, %dma_start3A_126] : memref<320000x128xf32, #tpu.memory_space<hbm>> -> memref<80x128xf32, #tpu.memory_space<hbm>>
      %dma_start3A_128 = arith.constant 0 : i32
      %dma_start3A_129 = tpu.memref_slice %arg6[%add3A_125, %dma_start3A_128] : memref<320000x128xf32, #tpu.memory_space<hbm>> -> memref<80x128xf32, #tpu.memory_space<hbm>>
      tpu.enqueue_dma source(%arg14 : memref<80x128xf32, #tpu.memory_space<vmem>>) target(%dma_start3A_129 : memref<80x128xf32, #tpu.memory_space<hbm>>) target_semaphore(%arg20 : memref<!tpu.dma_semaphore, #tpu.memory_space<semaphore_mem>>)
      %lt3A = arith.constant 61 : i32
      %lt3A_130 = arith.cmpi slt, %scan3A_60, %lt3A : i32
      %convert_element_type3A_131 = arith.extui %lt3A_130 : i1 to i32
      %cond3A_132 = arith.constant 0 : i32
      %cond3A_133 = arith.cmpi ne, %convert_element_type3A_131, %cond3A_132 : i32
      scf.if %cond3A_133 {
        %add3A_134 = arith.constant 3 : i32
        %add3A_135 = arith.addi %mul3A_62, %add3A_134 : i32
        %mul3A_136 = arith.constant 80 : i32
        %mul3A_137 = arith.muli %add3A_135, %mul3A_136 : i32
        %dma_start3A_138 = tpu.memref_slice %arg7[%mul3A_137] : memref<10000xi32, #tpu.memory_space<vmem>> -> memref<80xi32, #tpu.memory_space<vmem>>
        %dma_start3A_139 = arith.constant 0 : i32
        %dma_start3A_140 = arith.constant 0 : i32
        %dma_start3A_141 = tpu.memref_slice %arg2[%dma_start3A_139, %dma_start3A_140] : memref<10000x128xf32, #tpu.memory_space<hbm>> -> memref<10000x128xf32, #tpu.memory_space<hbm>>
        tpu.enqueue_indirect_dma source(%dma_start3A_141 : memref<10000x128xf32, #tpu.memory_space<hbm>>) target(%arg11 : memref<80x128xf32, #tpu.memory_space<vmem>>) offsets(%dma_start3A_138 : memref<80xi32, #tpu.memory_space<vmem>>) semaphore(%arg17 : memref<!tpu.dma_semaphore, #tpu.memory_space<semaphore_mem>>)
        %dma_start3A_142 = tpu.memref_slice %arg8[%mul3A_137] : memref<10000xi32, #tpu.memory_space<vmem>> -> memref<80xi32, #tpu.memory_space<vmem>>
        %dma_start3A_143 = arith.constant 0 : i32
        %dma_start3A_144 = arith.constant 0 : i32
        %dma_start3A_145 = tpu.memref_slice %arg3[%dma_start3A_143, %dma_start3A_144] : memref<10000x128xf32, #tpu.memory_space<hbm>> -> memref<10000x128xf32, #tpu.memory_space<hbm>>
        tpu.enqueue_indirect_dma source(%dma_start3A_145 : memref<10000x128xf32, #tpu.memory_space<hbm>>) target(%arg12 : memref<80x128xf32, #tpu.memory_space<vmem>>) offsets(%dma_start3A_142 : memref<80xi32, #tpu.memory_space<vmem>>) semaphore(%arg18 : memref<!tpu.dma_semaphore, #tpu.memory_space<semaphore_mem>>)
      } else {
      }
    }
    %scan3A_26 = arith.constant 62 : i32
    %dma_wait3A = arith.constant 0 : i32
    %dma_wait3A_27 = tpu.memref_slice %arg7[%dma_wait3A] : memref<10000xi32, #tpu.memory_space<vmem>> -> memref<80xi32, #tpu.memory_space<vmem>>
    %dma_wait3A_28 = arith.constant 0 : i32
    %dma_wait3A_29 = arith.constant 0 : i32
    %dma_wait3A_30 = tpu.memref_slice %arg2[%dma_wait3A_28, %dma_wait3A_29] : memref<10000x128xf32, #tpu.memory_space<hbm>> -> memref<10000x128xf32, #tpu.memory_space<hbm>>
    tpu.wait_indirect_dma semaphore(%arg15 : memref<!tpu.dma_semaphore, #tpu.memory_space<semaphore_mem>>) src(%dma_wait3A_30 : memref<10000x128xf32, #tpu.memory_space<hbm>>) dst(%arg9 : memref<80x128xf32, #tpu.memory_space<vmem>>)
    %dma_wait3A_31 = arith.constant 0 : i32
    %dma_wait3A_32 = tpu.memref_slice %arg8[%dma_wait3A_31] : memref<10000xi32, #tpu.memory_space<vmem>> -> memref<80xi32, #tpu.memory_space<vmem>>
    %dma_wait3A_33 = arith.constant 0 : i32
    %dma_wait3A_34 = arith.constant 0 : i32
    %dma_wait3A_35 = tpu.memref_slice %arg3[%dma_wait3A_33, %dma_wait3A_34] : memref<10000x128xf32, #tpu.memory_space<hbm>> -> memref<10000x128xf32, #tpu.memory_space<hbm>>
    tpu.wait_indirect_dma semaphore(%arg16 : memref<!tpu.dma_semaphore, #tpu.memory_space<semaphore_mem>>) src(%dma_wait3A_35 : memref<10000x128xf32, #tpu.memory_space<hbm>>) dst(%arg10 : memref<80x128xf32, #tpu.memory_space<vmem>>)
    %dma_wait3A_36 = arith.constant 0 : i32
    %dma_wait3A_37 = tpu.memref_slice %arg6[%mul3A_2, %dma_wait3A_36] : memref<320000x128xf32, #tpu.memory_space<hbm>> -> memref<80x128xf32, #tpu.memory_space<hbm>>
    %dma_wait3A_38 = arith.constant 0 : i32
    %dma_wait3A_39 = tpu.memref_slice %arg6[%mul3A_2, %dma_wait3A_38] : memref<320000x128xf32, #tpu.memory_space<hbm>> -> memref<80x128xf32, #tpu.memory_space<hbm>>
    tpu.wait_dma2 semaphore(%arg19 : memref<!tpu.dma_semaphore, #tpu.memory_space<semaphore_mem>>) src(%arg13 : memref<80x128xf32, #tpu.memory_space<vmem>>) dst(%dma_wait3A_39 : memref<80x128xf32, #tpu.memory_space<hbm>>)
    %scan3A_40 = arith.constant 0 : i32
    %scan3A_41 = arith.constant 0 : i32
    %scan3A_42 = arith.constant 80 : i32
    %scan3A_43 = arith.addi %scan3A_41, %scan3A_42 : i32
    %scan3A_44 = arith.constant 1 : i32
    scf.for %scan3A_60 = %scan3A_41 to %scan3A_43 step %scan3A_44  : i32 {
      %get3A = arith.index_cast %scan3A_60 : i32 to index
      %get3A_61 = arith.constant 0 : index
      %get3A_62 = tpu.vector_load %arg9[%get3A, %get3A_61] {strides = array<i32>} : memref<80x128xf32, #tpu.memory_space<vmem>>, vector<1x16xf32>,
      %get3A_63 = vector.shape_cast %get3A_62 : vector<1x16xf32> to vector<16xf32>
      %get3A_64 = arith.index_cast %scan3A_60 : i32 to index
      %get3A_65 = arith.constant 0 : index
      %get3A_66 = tpu.vector_load %arg10[%get3A_64, %get3A_65] {strides = array<i32>} : memref<80x128xf32, #tpu.memory_space<vmem>>, vector<1x16xf32>,
      %get3A_67 = vector.shape_cast %get3A_66 : vector<1x16xf32> to vector<16xf32>
      %add3A_68 = arith.addf %get3A_63, %get3A_67 : vector<16xf32>
      %max3A = arith.constant 0.000000e+00 : f32
      %max3A_69 = vector.broadcast %max3A : f32 to vector<16xf32>
      %max3A_70 = arith.maximumf %add3A_68, %max3A_69 : vector<16xf32>
      %swap3A = arith.index_cast %scan3A_60 : i32 to index
      %swap3A_71 = arith.constant 0 : index
      %swap3A_72 = tpu.vector_load %arg13[%swap3A, %swap3A_71] {strides = array<i32>} : memref<80x128xf32, #tpu.memory_space<vmem>>, vector<1x16xf32>,
      %swap3A_73 = vector.shape_cast %swap3A_72 : vector<1x16xf32> to vector<16xf32>
      %swap3A_74 = vector.shape_cast %max3A_70 : vector<16xf32> to vector<1x16xf32>
      tpu.vector_store %arg13[%swap3A, %swap3A_71], %swap3A_74 {strides = array<i32>} : memref<80x128xf32, #tpu.memory_space<vmem>>, vector<1x16xf32>,
      %get3A_75 = arith.index_cast %scan3A_60 : i32 to index
      %get3A_76 = arith.constant 16 : index
      %get3A_77 = tpu.vector_load %arg9[%get3A_75, %get3A_76] {strides = array<i32>} : memref<80x128xf32, #tpu.memory_space<vmem>>, vector<1x16xf32>,
      %get3A_78 = vector.shape_cast %get3A_77 : vector<1x16xf32> to vector<16xf32>
      %get3A_79 = arith.index_cast %scan3A_60 : i32 to index
      %get3A_80 = arith.constant 16 : index
      %get3A_81 = tpu.vector_load %arg10[%get3A_79, %get3A_80] {strides = array<i32>} : memref<80x128xf32, #tpu.memory_space<vmem>>, vector<1x16xf32>,
      %get3A_82 = vector.shape_cast %get3A_81 : vector<1x16xf32> to vector<16xf32>
      %add3A_83 = arith.addf %get3A_78, %get3A_82 : vector<16xf32>
      %max3A_84 = arith.constant 0.000000e+00 : f32
      %max3A_85 = vector.broadcast %max3A_84 : f32 to vector<16xf32>
      %max3A_86 = arith.maximumf %add3A_83, %max3A_85 : vector<16xf32>
      %swap3A_87 = arith.index_cast %scan3A_60 : i32 to index
      %swap3A_88 = arith.constant 16 : index
      %swap3A_89 = tpu.vector_load %arg13[%swap3A_87, %swap3A_88] {strides = array<i32>} : memref<80x128xf32, #tpu.memory_space<vmem>>, vector<1x16xf32>,
      %swap3A_90 = vector.shape_cast %swap3A_89 : vector<1x16xf32> to vector<16xf32>
      %swap3A_91 = vector.shape_cast %max3A_86 : vector<16xf32> to vector<1x16xf32>
      tpu.vector_store %arg13[%swap3A_87, %swap3A_88], %swap3A_91 {strides = array<i32>} : memref<80x128xf32, #tpu.memory_space<vmem>>, vector<1x16xf32>,
      %get3A_92 = arith.index_cast %scan3A_60 : i32 to index
      %get3A_93 = arith.constant 32 : index
      %get3A_94 = tpu.vector_load %arg9[%get3A_92, %get3A_93] {strides = array<i32>} : memref<80x128xf32, #tpu.memory_space<vmem>>, vector<1x16xf32>,
      %get3A_95 = vector.shape_cast %get3A_94 : vector<1x16xf32> to vector<16xf32>
      %get3A_96 = arith.index_cast %scan3A_60 : i32 to index
      %get3A_97 = arith.constant 32 : index
      %get3A_98 = tpu.vector_load %arg10[%get3A_96, %get3A_97] {strides = array<i32>} : memref<80x128xf32, #tpu.memory_space<vmem>>, vector<1x16xf32>,
      %get3A_99 = vector.shape_cast %get3A_98 : vector<1x16xf32> to vector<16xf32>
      %add3A_100 = arith.addf %get3A_95, %get3A_99 : vector<16xf32>
      %max3A_101 = arith.constant 0.000000e+00 : f32
      %max3A_102 = vector.broadcast %max3A_101 : f32 to vector<16xf32>
      %max3A_103 = arith.maximumf %add3A_100, %max3A_102 : vector<16xf32>
      %swap3A_104 = arith.index_cast %scan3A_60 : i32 to index
      %swap3A_105 = arith.constant 32 : index
      %swap3A_106 = tpu.vector_load %arg13[%swap3A_104, %swap3A_105] {strides = array<i32>} : memref<80x128xf32, #tpu.memory_space<vmem>>, vector<1x16xf32>,
      %swap3A_107 = vector.shape_cast %swap3A_106 : vector<1x16xf32> to vector<16xf32>
      %swap3A_108 = vector.shape_cast %max3A_103 : vector<16xf32> to vector<1x16xf32>
      tpu.vector_store %arg13[%swap3A_104, %swap3A_105], %swap3A_108 {strides = array<i32>} : memref<80x128xf32, #tpu.memory_space<vmem>>, vector<1x16xf32>,
      %get3A_109 = arith.index_cast %scan3A_60 : i32 to index
      %get3A_110 = arith.constant 48 : index
      %get3A_111 = tpu.vector_load %arg9[%get3A_109, %get3A_110] {strides = array<i32>} : memref<80x128xf32, #tpu.memory_space<vmem>>, vector<1x16xf32>,
      %get3A_112 = vector.shape_cast %get3A_111 : vector<1x16xf32> to vector<16xf32>
      %get3A_113 = arith.index_cast %scan3A_60 : i32 to index
      %get3A_114 = arith.constant 48 : index
      %get3A_115 = tpu.vector_load %arg10[%get3A_113, %get3A_114] {strides = array<i32>} : memref<80x128xf32, #tpu.memory_space<vmem>>, vector<1x16xf32>,
      %get3A_116 = vector.shape_cast %get3A_115 : vector<1x16xf32> to vector<16xf32>
      %add3A_117 = arith.addf %get3A_112, %get3A_116 : vector<16xf32>
      %max3A_118 = arith.constant 0.000000e+00 : f32
      %max3A_119 = vector.broadcast %max3A_118 : f32 to vector<16xf32>
      %max3A_120 = arith.maximumf %add3A_117, %max3A_119 : vector<16xf32>
      %swap3A_121 = arith.index_cast %scan3A_60 : i32 to index
      %swap3A_122 = arith.constant 48 : index
      %swap3A_123 = tpu.vector_load %arg13[%swap3A_121, %swap3A_122] {strides = array<i32>} : memref<80x128xf32, #tpu.memory_space<vmem>>, vector<1x16xf32>,
      %swap3A_124 = vector.shape_cast %swap3A_123 : vector<1x16xf32> to vector<16xf32>
      %swap3A_125 = vector.shape_cast %max3A_120 : vector<16xf32> to vector<1x16xf32>
      tpu.vector_store %arg13[%swap3A_121, %swap3A_122], %swap3A_125 {strides = array<i32>} : memref<80x128xf32, #tpu.memory_space<vmem>>, vector<1x16xf32>,
      %get3A_126 = arith.index_cast %scan3A_60 : i32 to index
      %get3A_127 = arith.constant 64 : index
      %get3A_128 = tpu.vector_load %arg9[%get3A_126, %get3A_127] {strides = array<i32>} : memref<80x128xf32, #tpu.memory_space<vmem>>, vector<1x16xf32>,
      %get3A_129 = vector.shape_cast %get3A_128 : vector<1x16xf32> to vector<16xf32>
      %get3A_130 = arith.index_cast %scan3A_60 : i32 to index
      %get3A_131 = arith.constant 64 : index
      %get3A_132 = tpu.vector_load %arg10[%get3A_130, %get3A_131] {strides = array<i32>} : memref<80x128xf32, #tpu.memory_space<vmem>>, vector<1x16xf32>,
      %get3A_133 = vector.shape_cast %get3A_132 : vector<1x16xf32> to vector<16xf32>
      %add3A_134 = arith.addf %get3A_129, %get3A_133 : vector<16xf32>
      %max3A_135 = arith.constant 0.000000e+00 : f32
      %max3A_136 = vector.broadcast %max3A_135 : f32 to vector<16xf32>
      %max3A_137 = arith.maximumf %add3A_134, %max3A_136 : vector<16xf32>
      %swap3A_138 = arith.index_cast %scan3A_60 : i32 to index
      %swap3A_139 = arith.constant 64 : index
      %swap3A_140 = tpu.vector_load %arg13[%swap3A_138, %swap3A_139] {strides = array<i32>} : memref<80x128xf32, #tpu.memory_space<vmem>>, vector<1x16xf32>,
      %swap3A_141 = vector.shape_cast %swap3A_140 : vector<1x16xf32> to vector<16xf32>
      %swap3A_142 = vector.shape_cast %max3A_137 : vector<16xf32> to vector<1x16xf32>
      tpu.vector_store %arg13[%swap3A_138, %swap3A_139], %swap3A_142 {strides = array<i32>} : memref<80x128xf32, #tpu.memory_space<vmem>>, vector<1x16xf32>,
      %get3A_143 = arith.index_cast %scan3A_60 : i32 to index
      %get3A_144 = arith.constant 80 : index
      %get3A_145 = tpu.vector_load %arg9[%get3A_143, %get3A_144] {strides = array<i32>} : memref<80x128xf32, #tpu.memory_space<vmem>>, vector<1x16xf32>,
      %get3A_146 = vector.shape_cast %get3A_145 : vector<1x16xf32> to vector<16xf32>
      %get3A_147 = arith.index_cast %scan3A_60 : i32 to index
      %get3A_148 = arith.constant 80 : index
      %get3A_149 = tpu.vector_load %arg10[%get3A_147, %get3A_148] {strides = array<i32>} : memref<80x128xf32, #tpu.memory_space<vmem>>, vector<1x16xf32>,
      %get3A_150 = vector.shape_cast %get3A_149 : vector<1x16xf32> to vector<16xf32>
      %add3A_151 = arith.addf %get3A_146, %get3A_150 : vector<16xf32>
      %max3A_152 = arith.constant 0.000000e+00 : f32
      %max3A_153 = vector.broadcast %max3A_152 : f32 to vector<16xf32>
      %max3A_154 = arith.maximumf %add3A_151, %max3A_153 : vector<16xf32>
      %swap3A_155 = arith.index_cast %scan3A_60 : i32 to index
      %swap3A_156 = arith.constant 80 : index
      %swap3A_157 = tpu.vector_load %arg13[%swap3A_155, %swap3A_156] {strides = array<i32>} : memref<80x128xf32, #tpu.memory_space<vmem>>, vector<1x16xf32>,
      %swap3A_158 = vector.shape_cast %swap3A_157 : vector<1x16xf32> to vector<16xf32>
      %swap3A_159 = vector.shape_cast %max3A_154 : vector<16xf32> to vector<1x16xf32>
      tpu.vector_store %arg13[%swap3A_155, %swap3A_156], %swap3A_159 {strides = array<i32>} : memref<80x128xf32, #tpu.memory_space<vmem>>, vector<1x16xf32>,
      %get3A_160 = arith.index_cast %scan3A_60 : i32 to index
      %get3A_161 = arith.constant 96 : index
      %get3A_162 = tpu.vector_load %arg9[%get3A_160, %get3A_161] {strides = array<i32>} : memref<80x128xf32, #tpu.memory_space<vmem>>, vector<1x16xf32>,
      %get3A_163 = vector.shape_cast %get3A_162 : vector<1x16xf32> to vector<16xf32>
      %get3A_164 = arith.index_cast %scan3A_60 : i32 to index
      %get3A_165 = arith.constant 96 : index
      %get3A_166 = tpu.vector_load %arg10[%get3A_164, %get3A_165] {strides = array<i32>} : memref<80x128xf32, #tpu.memory_space<vmem>>, vector<1x16xf32>,
      %get3A_167 = vector.shape_cast %get3A_166 : vector<1x16xf32> to vector<16xf32>
      %add3A_168 = arith.addf %get3A_163, %get3A_167 : vector<16xf32>
      %max3A_169 = arith.constant 0.000000e+00 : f32
      %max3A_170 = vector.broadcast %max3A_169 : f32 to vector<16xf32>
      %max3A_171 = arith.maximumf %add3A_168, %max3A_170 : vector<16xf32>
      %swap3A_172 = arith.index_cast %scan3A_60 : i32 to index
      %swap3A_173 = arith.constant 96 : index
      %swap3A_174 = tpu.vector_load %arg13[%swap3A_172, %swap3A_173] {strides = array<i32>} : memref<80x128xf32, #tpu.memory_space<vmem>>, vector<1x16xf32>,
      %swap3A_175 = vector.shape_cast %swap3A_174 : vector<1x16xf32> to vector<16xf32>
      %swap3A_176 = vector.shape_cast %max3A_171 : vector<16xf32> to vector<1x16xf32>
      tpu.vector_store %arg13[%swap3A_172, %swap3A_173], %swap3A_176 {strides = array<i32>} : memref<80x128xf32, #tpu.memory_space<vmem>>, vector<1x16xf32>,
      %get3A_177 = arith.index_cast %scan3A_60 : i32 to index
      %get3A_178 = arith.constant 112 : index
      %get3A_179 = tpu.vector_load %arg9[%get3A_177, %get3A_178] {strides = array<i32>} : memref<80x128xf32, #tpu.memory_space<vmem>>, vector<1x16xf32>,
      %get3A_180 = vector.shape_cast %get3A_179 : vector<1x16xf32> to vector<16xf32>
      %get3A_181 = arith.index_cast %scan3A_60 : i32 to index
      %get3A_182 = arith.constant 112 : index
      %get3A_183 = tpu.vector_load %arg10[%get3A_181, %get3A_182] {strides = array<i32>} : memref<80x128xf32, #tpu.memory_space<vmem>>, vector<1x16xf32>,
      %get3A_184 = vector.shape_cast %get3A_183 : vector<1x16xf32> to vector<16xf32>
      %add3A_185 = arith.addf %get3A_180, %get3A_184 : vector<16xf32>
      %max3A_186 = arith.constant 0.000000e+00 : f32
      %max3A_187 = vector.broadcast %max3A_186 : f32 to vector<16xf32>
      %max3A_188 = arith.maximumf %add3A_185, %max3A_187 : vector<16xf32>
      %swap3A_189 = arith.index_cast %scan3A_60 : i32 to index
      %swap3A_190 = arith.constant 112 : index
      %swap3A_191 = tpu.vector_load %arg13[%swap3A_189, %swap3A_190] {strides = array<i32>} : memref<80x128xf32, #tpu.memory_space<vmem>>, vector<1x16xf32>,
      %swap3A_192 = vector.shape_cast %swap3A_191 : vector<1x16xf32> to vector<16xf32>
      %swap3A_193 = vector.shape_cast %max3A_188 : vector<16xf32> to vector<1x16xf32>
      tpu.vector_store %arg13[%swap3A_189, %swap3A_190], %swap3A_193 {strides = array<i32>} : memref<80x128xf32, #tpu.memory_space<vmem>>, vector<1x16xf32>,
    }
    %scan3A_45 = arith.constant 80 : i32
    %add3A_46 = arith.constant 9920 : i32
    %add3A_47 = arith.addi %mul3A_2, %add3A_46 : i32
    %dma_start3A_48 = arith.constant 0 : i32
    %dma_start3A_49 = tpu.memref_slice %arg6[%add3A_47, %dma_start3A_48] : memref<320000x128xf32, #tpu.memory_space<hbm>> -> memref<80x128xf32, #tpu.memory_space<hbm>>
    %dma_start3A_50 = arith.constant 0 : i32
    %dma_start3A_51 = tpu.memref_slice %arg6[%add3A_47, %dma_start3A_50] : memref<320000x128xf32, #tpu.memory_space<hbm>> -> memref<80x128xf32, #tpu.memory_space<hbm>>
    tpu.enqueue_dma source(%arg13 : memref<80x128xf32, #tpu.memory_space<vmem>>) target(%dma_start3A_51 : memref<80x128xf32, #tpu.memory_space<hbm>>) target_semaphore(%arg19 : memref<!tpu.dma_semaphore, #tpu.memory_space<semaphore_mem>>)
    %dma_wait3A_52 = arith.constant 0 : i32
    %dma_wait3A_53 = tpu.memref_slice %arg6[%mul3A_2, %dma_wait3A_52] : memref<320000x128xf32, #tpu.memory_space<hbm>> -> memref<80x128xf32, #tpu.memory_space<hbm>>
    %dma_wait3A_54 = arith.constant 0 : i32
    %dma_wait3A_55 = tpu.memref_slice %arg6[%mul3A_2, %dma_wait3A_54] : memref<320000x128xf32, #tpu.memory_space<hbm>> -> memref<80x128xf32, #tpu.memory_space<hbm>>
    tpu.wait_dma2 semaphore(%arg20 : memref<!tpu.dma_semaphore, #tpu.memory_space<semaphore_mem>>) src(%arg14 : memref<80x128xf32, #tpu.memory_space<vmem>>) dst(%dma_wait3A_55 : memref<80x128xf32, #tpu.memory_space<hbm>>)
    %dma_wait3A_56 = arith.constant 0 : i32
    %dma_wait3A_57 = tpu.memref_slice %arg6[%mul3A_2, %dma_wait3A_56] : memref<320000x128xf32, #tpu.memory_space<hbm>> -> memref<80x128xf32, #tpu.memory_space<hbm>>
    %dma_wait3A_58 = arith.constant 0 : i32
    %dma_wait3A_59 = tpu.memref_slice %arg6[%mul3A_2, %dma_wait3A_58] : memref<320000x128xf32, #tpu.memory_space<hbm>> -> memref<80x128xf32, #tpu.memory_space<hbm>>
    tpu.wait_dma2 semaphore(%arg19 : memref<!tpu.dma_semaphore, #tpu.memory_space<semaphore_mem>>) src(%arg13 : memref<80x128xf32, #tpu.memory_space<vmem>>) dst(%dma_wait3A_59 : memref<80x128xf32, #tpu.memory_space<hbm>>)
    return
  }
}

module attributes {stable_mosaic.version = 14 : i64} {
  func.func @_precompute_body(%arg0: memref<10000x128xf32, #tpu.memory_space<vmem>>, %arg1: memref<10000x1xf32, #tpu.memory_space<vmem>>, %arg2: memref<128x128xf32, #tpu.memory_space<vmem>>, %arg3: memref<128x128xf32, #tpu.memory_space<vmem>>, %arg4: memref<1x128xf32, #tpu.memory_space<vmem>>, %arg5: memref<1x128xf32, #tpu.memory_space<vmem>>, %arg6: memref<1x128xf32, #tpu.memory_space<vmem>>, %arg7: memref<10000x128xf32, #tpu.memory_space<vmem>>, %arg8: memref<10000x128xf32, #tpu.memory_space<vmem>>) attributes {dimension_semantics = [], scalar_prefetch = 0 : i64, scratch_operands = 0 : i64, tpu.core_type = #tpu.core_type<tc>} {
    %get3A = arith.constant 0 : index
    %get3A_0 = arith.constant 0 : index
    %get3A_1 = vector.load %arg0[%get3A, %get3A_0] : memref<10000x128xf32, #tpu.memory_space<vmem>>, vector<10000x128xf32>
    %get3A_2 = arith.constant 0 : index
    %get3A_3 = arith.constant 0 : index
    %get3A_4 = vector.load %arg1[%get3A_2, %get3A_3] : memref<10000x1xf32, #tpu.memory_space<vmem>>, vector<10000x1xf32>
    %get3A_5 = arith.constant 0 : index
    %get3A_6 = arith.constant 0 : index
    %get3A_7 = vector.load %arg2[%get3A_5, %get3A_6] : memref<128x128xf32, #tpu.memory_space<vmem>>, vector<128x128xf32>
    %dot_general3A = arith.constant dense<0.000000e+00> : vector<10000x128xf32>
    %dot_general3A_8 = tpu.matmul %get3A_1, %get3A_7, %dot_general3A {dimension_numbers = #tpu.dot_dimension_numbers<[1], [0], [0], [1], [0, 0, 1, 1], [], []>, transpose_lhs_hint = false} : vector<10000x128xf32>, vector<128x128xf32>, vector<10000x128xf32> -> vector<10000x128xf32>
    %get3A_9 = arith.constant 0 : index
    %get3A_10 = arith.constant 0 : index
    %get3A_11 = vector.load %arg4[%get3A_9, %get3A_10] : memref<1x128xf32, #tpu.memory_space<vmem>>, vector<1x128xf32>
    %mul3A = vector.broadcast %get3A_4 : vector<10000x1xf32> to vector<10000x128xf32>
    %mul3A_12 = vector.broadcast %get3A_11 : vector<1x128xf32> to vector<10000x128xf32>
    %mul3A_13 = arith.mulf %mul3A, %mul3A_12 : vector<10000x128xf32>
    %add3A = arith.addf %dot_general3A_8, %mul3A_13 : vector<10000x128xf32>
    %get3A_14 = arith.constant 0 : index
    %get3A_15 = arith.constant 0 : index
    %get3A_16 = vector.load %arg6[%get3A_14, %get3A_15] : memref<1x128xf32, #tpu.memory_space<vmem>>, vector<1x128xf32>
    %add3A_17 = vector.broadcast %get3A_16 : vector<1x128xf32> to vector<10000x128xf32>
    %add3A_18 = arith.addf %add3A, %add3A_17 : vector<10000x128xf32>
    %swap3A = arith.constant 0 : index
    %swap3A_19 = arith.constant 0 : index
    %swap3A_20 = vector.load %arg7[%swap3A, %swap3A_19] : memref<10000x128xf32, #tpu.memory_space<vmem>>, vector<10000x128xf32>
    tpu.vector_store %arg7[%swap3A, %swap3A_19], %add3A_18 {strides = array<i32>} : memref<10000x128xf32, #tpu.memory_space<vmem>>, vector<10000x128xf32>,
    %get3A_21 = arith.constant 0 : index
    %get3A_22 = arith.constant 0 : index
    %get3A_23 = vector.load %arg3[%get3A_21, %get3A_22] : memref<128x128xf32, #tpu.memory_space<vmem>>, vector<128x128xf32>
    %dot_general3A_24 = arith.constant dense<0.000000e+00> : vector<10000x128xf32>
    %dot_general3A_25 = tpu.matmul %get3A_1, %get3A_23, %dot_general3A_24 {dimension_numbers = #tpu.dot_dimension_numbers<[1], [0], [0], [1], [0, 0, 1, 1], [], []>, transpose_lhs_hint = false} : vector<10000x128xf32>, vector<128x128xf32>, vector<10000x128xf32> -> vector<10000x128xf32>
    %get3A_26 = arith.constant 0 : index
    %get3A_27 = arith.constant 0 : index
    %get3A_28 = vector.load %arg5[%get3A_26, %get3A_27] : memref<1x128xf32, #tpu.memory_space<vmem>>, vector<1x128xf32>
    %mul3A_29 = vector.broadcast %get3A_4 : vector<10000x1xf32> to vector<10000x128xf32>
    %mul3A_30 = vector.broadcast %get3A_28 : vector<1x128xf32> to vector<10000x128xf32>
    %mul3A_31 = arith.mulf %mul3A_29, %mul3A_30 : vector<10000x128xf32>
    %add3A_32 = arith.addf %dot_general3A_25, %mul3A_31 : vector<10000x128xf32>
    %swap3A_33 = arith.constant 0 : index
    %swap3A_34 = arith.constant 0 : index
    %swap3A_35 = vector.load %arg8[%swap3A_33, %swap3A_34] : memref<10000x128xf32, #tpu.memory_space<vmem>>, vector<10000x128xf32>
    tpu.vector_store %arg8[%swap3A_33, %swap3A_34], %add3A_32 {strides = array<i32>} : memref<10000x128xf32, #tpu.memory_space<vmem>>, vector<10000x128xf32>,
    return
  }
}

module attributes {stable_mosaic.version = 14 : i64} {
  func.func @_rank_body(%arg0: i32, %arg1: memref<256x1xf32, #tpu.memory_space<vmem>>, %arg2: memref<80x128xf32, #tpu.memory_space<vmem>>, %arg3: memref<1x2048xi32, #tpu.memory_space<vmem>>, %arg4: memref<1x2048xi32, #tpu.memory_space<vmem>>) attributes {dimension_semantics = [#tpu.dimension_semantics<arbitrary>], iteration_bounds = array<i64: 40>, scalar_prefetch = 0 : i64, scratch_operands = 0 : i64, tpu.core_type = #tpu.core_type<tc>, window_params = [{transform_indices = @transform_0, window_bounds = array<i64: 256, 1>}, {pipeline_mode = #tpu.pipeline_mode<synchronous>, transform_indices = @transform_1, window_bounds = array<i64: 80, 128>}, {pipeline_mode = #tpu.pipeline_mode<synchronous>, transform_indices = @transform_2, window_bounds = array<i64: 1, 2048>}, {pipeline_mode = #tpu.pipeline_mode<synchronous>, transform_indices = @transform_3, window_bounds = array<i64: 1, 2048>}]} {
    %get3A = arith.constant 0 : index
    %get3A_0 = arith.constant 0 : index
    %get3A_1 = vector.load %arg1[%get3A, %get3A_0] : memref<256x1xf32, #tpu.memory_space<vmem>>, vector<256x1xf32>
    %mul3A = arith.constant 256 : i32
    %mul3A_2 = arith.muli %arg0, %mul3A : i32
    %iota3A = tpu.iota {dimensions = array<i32: 0>} : vector<256x1xi32>
    %add3A = vector.broadcast %mul3A_2 : i32 to vector<256x1xi32>
    %add3A_3 = arith.addi %add3A, %iota3A : vector<256x1xi32>
    %mul3A_4 = arith.constant 2 : i32
    %mul3A_5 = arith.muli %arg0, %mul3A_4 : i32
    %broadcast_in_dim3A = arith.constant 0 : i32
    %broadcast_in_dim3A_6 = vector.broadcast %broadcast_in_dim3A : i32 to vector<256x128xi32>
    %while3A = arith.constant 0 : i32
    %while3A_7 = arith.subi %mul3A_5, %while3A : i32
    %while3A_8 = arith.addi %while3A, %while3A_7 : i32
    %while3A_9 = arith.constant 1 : i32
    %while3A_10 = arith.divsi %while3A_7, %while3A_9 : i32
    %while3A_11 = arith.muli %while3A_10, %while3A_9 : i32
    %while3A_12 = arith.addi %while3A, %while3A_11 : i32
    %while3A_13 = arith.constant 1 : i32
    %while3A_14 = scf.for %while3A_410 = %while3A to %while3A_12 step %while3A_13 iter_args(%while3A_411 = %broadcast_in_dim3A_6) -> (vector<256x128xi32>)  : i32 {
      %get3A_412 = arith.index_cast %while3A_410 : i32 to index
      %get3A_413 = arith.constant 0 : index
      %get3A_414 = vector.load %arg2[%get3A_412, %get3A_413] : memref<80x128xf32, #tpu.memory_space<vmem>>, vector<1x128xf32>
      %le3A = vector.broadcast %get3A_414 : vector<1x128xf32> to vector<256x128xf32>
      %le3A_415 = vector.broadcast %get3A_1 : vector<256x1xf32> to vector<256x128xf32>
      %le3A_416 = arith.cmpf ole, %le3A, %le3A_415 : vector<256x128xf32>
      %convert_element_type3A_417 = arith.extui %le3A_416 : vector<256x128xi1> to vector<256x128xi32>
      %add3A_418 = arith.addi %while3A_411, %convert_element_type3A_417 : vector<256x128xi32>
      scf.yield %add3A_418 : vector<256x128xi32>
    }
    %while3A_15 = arith.constant 1 : i32
    %while3A_16 = scf.for %while3A_410 = %while3A_12 to %while3A_8 step %while3A_15 iter_args(%while3A_411 = %while3A_14) -> (vector<256x128xi32>)  : i32 {
      %get3A_412 = arith.index_cast %while3A_410 : i32 to index
      %get3A_413 = arith.constant 0 : index
      %get3A_414 = vector.load %arg2[%get3A_412, %get3A_413] : memref<80x128xf32, #tpu.memory_space<vmem>>, vector<1x128xf32>
      %le3A = vector.broadcast %get3A_414 : vector<1x128xf32> to vector<256x128xf32>
      %le3A_415 = vector.broadcast %get3A_1 : vector<256x1xf32> to vector<256x128xf32>
      %le3A_416 = arith.cmpf ole, %le3A, %le3A_415 : vector<256x128xf32>
      %convert_element_type3A_417 = arith.extui %le3A_416 : vector<256x128xi1> to vector<256x128xi32>
      %add3A_418 = arith.addi %while3A_411, %convert_element_type3A_417 : vector<256x128xi32>
      scf.yield %add3A_418 : vector<256x128xi32>
    }
    %add3A_17 = arith.constant 0 : i32
    %add3A_18 = arith.addi %mul3A_5, %add3A_17 : i32
    %get3A_19 = arith.index_cast %add3A_18 : i32 to index
    %get3A_20 = arith.constant 0 : index
    %get3A_21 = vector.load %arg2[%get3A_19, %get3A_20] : memref<80x128xf32, #tpu.memory_space<vmem>>, vector<1x128xf32>
    %mul3A_22 = arith.constant 128 : i32
    %mul3A_23 = arith.muli %add3A_18, %mul3A_22 : i32
    %iota3A_24 = tpu.iota {dimensions = array<i32: 1>} : vector<1x128xi32>
    %add3A_25 = vector.broadcast %mul3A_23 : i32 to vector<1x128xi32>
    %add3A_26 = arith.addi %add3A_25, %iota3A_24 : vector<1x128xi32>
    %eq3A = vector.broadcast %get3A_21 : vector<1x128xf32> to vector<256x128xf32>
    %eq3A_27 = vector.broadcast %get3A_1 : vector<256x1xf32> to vector<256x128xf32>
    %eq3A_28 = arith.cmpf oeq, %eq3A, %eq3A_27 : vector<256x128xf32>
    %lt3A = vector.broadcast %add3A_26 : vector<1x128xi32> to vector<256x128xi32>
    %lt3A_29 = vector.broadcast %add3A_3 : vector<256x1xi32> to vector<256x128xi32>
    %lt3A_30 = arith.cmpi slt, %lt3A, %lt3A_29 : vector<256x128xi32>
    %and3A = arith.andi %eq3A_28, %lt3A_30 : vector<256x128xi1>
    %lt3A_31 = vector.broadcast %get3A_21 : vector<1x128xf32> to vector<256x128xf32>
    %lt3A_32 = vector.broadcast %get3A_1 : vector<256x1xf32> to vector<256x128xf32>
    %lt3A_33 = arith.cmpf olt, %lt3A_31, %lt3A_32 : vector<256x128xf32>
    %or3A = arith.ori %lt3A_33, %and3A : vector<256x128xi1>
    %convert_element_type3A = arith.extui %or3A : vector<256x128xi1> to vector<256x128xi32>
    %add3A_34 = arith.addi %while3A_16, %convert_element_type3A : vector<256x128xi32>
    %add3A_35 = arith.constant 1 : i32
    %add3A_36 = arith.addi %mul3A_5, %add3A_35 : i32
    %get3A_37 = arith.index_cast %add3A_36 : i32 to index
    %get3A_38 = arith.constant 0 : index
    %get3A_39 = vector.load %arg2[%get3A_37, %get3A_38] : memref<80x128xf32, #tpu.memory_space<vmem>>, vector<1x128xf32>
    %mul3A_40 = arith.constant 128 : i32
    %mul3A_41 = arith.muli %add3A_36, %mul3A_40 : i32
    %iota3A_42 = tpu.iota {dimensions = array<i32: 1>} : vector<1x128xi32>
    %add3A_43 = vector.broadcast %mul3A_41 : i32 to vector<1x128xi32>
    %add3A_44 = arith.addi %add3A_43, %iota3A_42 : vector<1x128xi32>
    %eq3A_45 = vector.broadcast %get3A_39 : vector<1x128xf32> to vector<256x128xf32>
    %eq3A_46 = vector.broadcast %get3A_1 : vector<256x1xf32> to vector<256x128xf32>
    %eq3A_47 = arith.cmpf oeq, %eq3A_45, %eq3A_46 : vector<256x128xf32>
    %lt3A_48 = vector.broadcast %add3A_44 : vector<1x128xi32> to vector<256x128xi32>
    %lt3A_49 = vector.broadcast %add3A_3 : vector<256x1xi32> to vector<256x128xi32>
    %lt3A_50 = arith.cmpi slt, %lt3A_48, %lt3A_49 : vector<256x128xi32>
    %and3A_51 = arith.andi %eq3A_47, %lt3A_50 : vector<256x128xi1>
    %lt3A_52 = vector.broadcast %get3A_39 : vector<1x128xf32> to vector<256x128xf32>
    %lt3A_53 = vector.broadcast %get3A_1 : vector<256x1xf32> to vector<256x128xf32>
    %lt3A_54 = arith.cmpf olt, %lt3A_52, %lt3A_53 : vector<256x128xf32>
    %or3A_55 = arith.ori %lt3A_54, %and3A_51 : vector<256x128xi1>
    %convert_element_type3A_56 = arith.extui %or3A_55 : vector<256x128xi1> to vector<256x128xi32>
    %add3A_57 = arith.addi %add3A_34, %convert_element_type3A_56 : vector<256x128xi32>
    %add3A_58 = arith.constant 2 : i32
    %add3A_59 = arith.addi %mul3A_5, %add3A_58 : i32
    %while3A_60 = arith.constant 80 : i32
    %while3A_61 = arith.subi %while3A_60, %add3A_59 : i32
    %while3A_62 = arith.addi %add3A_59, %while3A_61 : i32
    %while3A_63 = arith.constant 1 : i32
    %while3A_64 = arith.divsi %while3A_61, %while3A_63 : i32
    %while3A_65 = arith.muli %while3A_64, %while3A_63 : i32
    %while3A_66 = arith.addi %add3A_59, %while3A_65 : i32
    %while3A_67 = arith.constant 1 : i32
    %while3A_68 = scf.for %while3A_410 = %add3A_59 to %while3A_66 step %while3A_67 iter_args(%while3A_411 = %add3A_57) -> (vector<256x128xi32>)  : i32 {
      %get3A_412 = arith.index_cast %while3A_410 : i32 to index
      %get3A_413 = arith.constant 0 : index
      %get3A_414 = vector.load %arg2[%get3A_412, %get3A_413] : memref<80x128xf32, #tpu.memory_space<vmem>>, vector<1x128xf32>
      %lt3A_415 = vector.broadcast %get3A_414 : vector<1x128xf32> to vector<256x128xf32>
      %lt3A_416 = vector.broadcast %get3A_1 : vector<256x1xf32> to vector<256x128xf32>
      %lt3A_417 = arith.cmpf olt, %lt3A_415, %lt3A_416 : vector<256x128xf32>
      %convert_element_type3A_418 = arith.extui %lt3A_417 : vector<256x128xi1> to vector<256x128xi32>
      %add3A_419 = arith.addi %while3A_411, %convert_element_type3A_418 : vector<256x128xi32>
      scf.yield %add3A_419 : vector<256x128xi32>
    }
    %while3A_69 = arith.constant 1 : i32
    %while3A_70 = scf.for %while3A_410 = %while3A_66 to %while3A_62 step %while3A_69 iter_args(%while3A_411 = %while3A_68) -> (vector<256x128xi32>)  : i32 {
      %get3A_412 = arith.index_cast %while3A_410 : i32 to index
      %get3A_413 = arith.constant 0 : index
      %get3A_414 = vector.load %arg2[%get3A_412, %get3A_413] : memref<80x128xf32, #tpu.memory_space<vmem>>, vector<1x128xf32>
      %lt3A_415 = vector.broadcast %get3A_414 : vector<1x128xf32> to vector<256x128xf32>
      %lt3A_416 = vector.broadcast %get3A_1 : vector<256x1xf32> to vector<256x128xf32>
      %lt3A_417 = arith.cmpf olt, %lt3A_415, %lt3A_416 : vector<256x128xf32>
      %convert_element_type3A_418 = arith.extui %lt3A_417 : vector<256x128xi1> to vector<256x128xi32>
      %add3A_419 = arith.addi %while3A_411, %convert_element_type3A_418 : vector<256x128xi32>
      scf.yield %add3A_419 : vector<256x128xi32>
    }
    %reduce_sum3A = arith.constant dense<0> : vector<256xi32>
    %reduce_sum3A_71 = vector.multi_reduction <add>, %while3A_70, %reduce_sum3A [1] : vector<256x128xi32> to vector<256xi32>
    %broadcast_in_dim3A_72 = vector.shape_cast %reduce_sum3A_71 : vector<256xi32> to vector<256x1xi32>
    %eq3A_73 = arith.constant 0 : i32
    %eq3A_74 = arith.cmpi eq, %arg0, %eq3A_73 : i32
    %convert_element_type3A_75 = arith.extui %eq3A_74 : i1 to i32
    %cond3A = arith.constant 0 : i32
    %cond3A_76 = arith.cmpi ne, %convert_element_type3A_75, %cond3A : i32
    scf.if %cond3A_76 {
      %broadcast_in_dim3A_410 = arith.constant 0 : i32
      %broadcast_in_dim3A_411 = vector.broadcast %broadcast_in_dim3A_410 : i32 to vector<1x2048xi32>
      %swap3A_412 = arith.constant 0 : index
      %swap3A_413 = arith.constant 0 : index
      %swap3A_414 = vector.load %arg4[%swap3A_412, %swap3A_413] : memref<1x2048xi32, #tpu.memory_space<vmem>>, vector<1x2048xi32>
      tpu.vector_store %arg4[%swap3A_412, %swap3A_413], %broadcast_in_dim3A_411 {strides = array<i32>} : memref<1x2048xi32, #tpu.memory_space<vmem>>, vector<1x2048xi32>,
    } else {
    }
    %get3A_77 = arith.constant 0 : index
    %get3A_78 = arith.constant 0 : index
    %get3A_79 = vector.load %arg3[%get3A_77, %get3A_78] : memref<1x2048xi32, #tpu.memory_space<vmem>>, vector<1x128xi32>
    %eq3A_80 = vector.broadcast %broadcast_in_dim3A_72 : vector<256x1xi32> to vector<256x128xi32>
    %eq3A_81 = vector.broadcast %get3A_79 : vector<1x128xi32> to vector<256x128xi32>
    %eq3A_82 = arith.cmpi eq, %eq3A_80, %eq3A_81 : vector<256x128xi32>
    %jit3A = arith.constant 0 : i32
    %broadcast_in_dim3A_83 = vector.shape_cast %add3A_3 : vector<256x1xi32> to vector<256x1xi32>
    %broadcast_in_dim3A_84 = vector.broadcast %broadcast_in_dim3A_83 : vector<256x1xi32> to vector<256x128xi32>
    %broadcast_in_dim3A_85 = vector.broadcast %jit3A : i32 to vector<256x128xi32>
    %select_n3A = arith.select %eq3A_82, %broadcast_in_dim3A_84, %broadcast_in_dim3A_85 : vector<256x128xi1>, vector<256x128xi32>
    %get3A_86 = arith.constant 0 : index
    %get3A_87 = arith.constant 0 : index
    %get3A_88 = vector.load %arg4[%get3A_86, %get3A_87] : memref<1x2048xi32, #tpu.memory_space<vmem>>, vector<1x128xi32>
    %reduce_sum3A_89 = arith.constant dense<0> : vector<128xi32>
    %reduce_sum3A_90 = vector.multi_reduction <add>, %select_n3A, %reduce_sum3A_89 [0] : vector<256x128xi32> to vector<128xi32>
    %broadcast_in_dim3A_91 = vector.shape_cast %reduce_sum3A_90 : vector<128xi32> to vector<1x128xi32>
    %add3A_92 = arith.addi %get3A_88, %broadcast_in_dim3A_91 : vector<1x128xi32>
    %swap3A = arith.constant 0 : index
    %swap3A_93 = arith.constant 0 : index
    %swap3A_94 = vector.load %arg4[%swap3A, %swap3A_93] : memref<1x2048xi32, #tpu.memory_space<vmem>>, vector<1x128xi32>
    tpu.vector_store %arg4[%swap3A, %swap3A_93], %add3A_92 {strides = array<i32>} : memref<1x2048xi32, #tpu.memory_space<vmem>>, vector<1x128xi32>,
    %get3A_95 = arith.constant 0 : index
    %get3A_96 = arith.constant 128 : index
    %get3A_97 = vector.load %arg3[%get3A_95, %get3A_96] : memref<1x2048xi32, #tpu.memory_space<vmem>>, vector<1x128xi32>
    %eq3A_98 = vector.broadcast %broadcast_in_dim3A_72 : vector<256x1xi32> to vector<256x128xi32>
    %eq3A_99 = vector.broadcast %get3A_97 : vector<1x128xi32> to vector<256x128xi32>
    %eq3A_100 = arith.cmpi eq, %eq3A_98, %eq3A_99 : vector<256x128xi32>
    %jit3A_101 = arith.constant 0 : i32
    %broadcast_in_dim3A_102 = vector.shape_cast %add3A_3 : vector<256x1xi32> to vector<256x1xi32>
    %broadcast_in_dim3A_103 = vector.broadcast %broadcast_in_dim3A_102 : vector<256x1xi32> to vector<256x128xi32>
    %broadcast_in_dim3A_104 = vector.broadcast %jit3A_101 : i32 to vector<256x128xi32>
    %select_n3A_105 = arith.select %eq3A_100, %broadcast_in_dim3A_103, %broadcast_in_dim3A_104 : vector<256x128xi1>, vector<256x128xi32>
    %get3A_106 = arith.constant 0 : index
    %get3A_107 = arith.constant 128 : index
    %get3A_108 = vector.load %arg4[%get3A_106, %get3A_107] : memref<1x2048xi32, #tpu.memory_space<vmem>>, vector<1x128xi32>
    %reduce_sum3A_109 = arith.constant dense<0> : vector<128xi32>
    %reduce_sum3A_110 = vector.multi_reduction <add>, %select_n3A_105, %reduce_sum3A_109 [0] : vector<256x128xi32> to vector<128xi32>
    %broadcast_in_dim3A_111 = vector.shape_cast %reduce_sum3A_110 : vector<128xi32> to vector<1x128xi32>
    %add3A_112 = arith.addi %get3A_108, %broadcast_in_dim3A_111 : vector<1x128xi32>
    %swap3A_113 = arith.constant 0 : index
    %swap3A_114 = arith.constant 128 : index
    %swap3A_115 = vector.load %arg4[%swap3A_113, %swap3A_114] : memref<1x2048xi32, #tpu.memory_space<vmem>>, vector<1x128xi32>
    tpu.vector_store %arg4[%swap3A_113, %swap3A_114], %add3A_112 {strides = array<i32>} : memref<1x2048xi32, #tpu.memory_space<vmem>>, vector<1x128xi32>,
    %get3A_116 = arith.constant 0 : index
    %get3A_117 = arith.constant 256 : index
    %get3A_118 = vector.load %arg3[%get3A_116, %get3A_117] : memref<1x2048xi32, #tpu.memory_space<vmem>>, vector<1x128xi32>
    %eq3A_119 = vector.broadcast %broadcast_in_dim3A_72 : vector<256x1xi32> to vector<256x128xi32>
    %eq3A_120 = vector.broadcast %get3A_118 : vector<1x128xi32> to vector<256x128xi32>
    %eq3A_121 = arith.cmpi eq, %eq3A_119, %eq3A_120 : vector<256x128xi32>
    %jit3A_122 = arith.constant 0 : i32
    %broadcast_in_dim3A_123 = vector.shape_cast %add3A_3 : vector<256x1xi32> to vector<256x1xi32>
    %broadcast_in_dim3A_124 = vector.broadcast %broadcast_in_dim3A_123 : vector<256x1xi32> to vector<256x128xi32>
    %broadcast_in_dim3A_125 = vector.broadcast %jit3A_122 : i32 to vector<256x128xi32>
    %select_n3A_126 = arith.select %eq3A_121, %broadcast_in_dim3A_124, %broadcast_in_dim3A_125 : vector<256x128xi1>, vector<256x128xi32>
    %get3A_127 = arith.constant 0 : index
    %get3A_128 = arith.constant 256 : index
    %get3A_129 = vector.load %arg4[%get3A_127, %get3A_128] : memref<1x2048xi32, #tpu.memory_space<vmem>>, vector<1x128xi32>
    %reduce_sum3A_130 = arith.constant dense<0> : vector<128xi32>
    %reduce_sum3A_131 = vector.multi_reduction <add>, %select_n3A_126, %reduce_sum3A_130 [0] : vector<256x128xi32> to vector<128xi32>
    %broadcast_in_dim3A_132 = vector.shape_cast %reduce_sum3A_131 : vector<128xi32> to vector<1x128xi32>
    %add3A_133 = arith.addi %get3A_129, %broadcast_in_dim3A_132 : vector<1x128xi32>
    %swap3A_134 = arith.constant 0 : index
    %swap3A_135 = arith.constant 256 : index
    %swap3A_136 = vector.load %arg4[%swap3A_134, %swap3A_135] : memref<1x2048xi32, #tpu.memory_space<vmem>>, vector<1x128xi32>
    tpu.vector_store %arg4[%swap3A_134, %swap3A_135], %add3A_133 {strides = array<i32>} : memref<1x2048xi32, #tpu.memory_space<vmem>>, vector<1x128xi32>,
    %get3A_137 = arith.constant 0 : index
    %get3A_138 = arith.constant 384 : index
    %get3A_139 = vector.load %arg3[%get3A_137, %get3A_138] : memref<1x2048xi32, #tpu.memory_space<vmem>>, vector<1x128xi32>
    %eq3A_140 = vector.broadcast %broadcast_in_dim3A_72 : vector<256x1xi32> to vector<256x128xi32>
    %eq3A_141 = vector.broadcast %get3A_139 : vector<1x128xi32> to vector<256x128xi32>
    %eq3A_142 = arith.cmpi eq, %eq3A_140, %eq3A_141 : vector<256x128xi32>
    %jit3A_143 = arith.constant 0 : i32
    %broadcast_in_dim3A_144 = vector.shape_cast %add3A_3 : vector<256x1xi32> to vector<256x1xi32>
    %broadcast_in_dim3A_145 = vector.broadcast %broadcast_in_dim3A_144 : vector<256x1xi32> to vector<256x128xi32>
    %broadcast_in_dim3A_146 = vector.broadcast %jit3A_143 : i32 to vector<256x128xi32>
    %select_n3A_147 = arith.select %eq3A_142, %broadcast_in_dim3A_145, %broadcast_in_dim3A_146 : vector<256x128xi1>, vector<256x128xi32>
    %get3A_148 = arith.constant 0 : index
    %get3A_149 = arith.constant 384 : index
    %get3A_150 = vector.load %arg4[%get3A_148, %get3A_149] : memref<1x2048xi32, #tpu.memory_space<vmem>>, vector<1x128xi32>
    %reduce_sum3A_151 = arith.constant dense<0> : vector<128xi32>
    %reduce_sum3A_152 = vector.multi_reduction <add>, %select_n3A_147, %reduce_sum3A_151 [0] : vector<256x128xi32> to vector<128xi32>
    %broadcast_in_dim3A_153 = vector.shape_cast %reduce_sum3A_152 : vector<128xi32> to vector<1x128xi32>
    %add3A_154 = arith.addi %get3A_150, %broadcast_in_dim3A_153 : vector<1x128xi32>
    %swap3A_155 = arith.constant 0 : index
    %swap3A_156 = arith.constant 384 : index
    %swap3A_157 = vector.load %arg4[%swap3A_155, %swap3A_156] : memref<1x2048xi32, #tpu.memory_space<vmem>>, vector<1x128xi32>
    tpu.vector_store %arg4[%swap3A_155, %swap3A_156], %add3A_154 {strides = array<i32>} : memref<1x2048xi32, #tpu.memory_space<vmem>>, vector<1x128xi32>,
    %get3A_158 = arith.constant 0 : index
    %get3A_159 = arith.constant 512 : index
    %get3A_160 = vector.load %arg3[%get3A_158, %get3A_159] : memref<1x2048xi32, #tpu.memory_space<vmem>>, vector<1x128xi32>
    %eq3A_161 = vector.broadcast %broadcast_in_dim3A_72 : vector<256x1xi32> to vector<256x128xi32>
    %eq3A_162 = vector.broadcast %get3A_160 : vector<1x128xi32> to vector<256x128xi32>
    %eq3A_163 = arith.cmpi eq, %eq3A_161, %eq3A_162 : vector<256x128xi32>
    %jit3A_164 = arith.constant 0 : i32
    %broadcast_in_dim3A_165 = vector.shape_cast %add3A_3 : vector<256x1xi32> to vector<256x1xi32>
    %broadcast_in_dim3A_166 = vector.broadcast %broadcast_in_dim3A_165 : vector<256x1xi32> to vector<256x128xi32>
    %broadcast_in_dim3A_167 = vector.broadcast %jit3A_164 : i32 to vector<256x128xi32>
    %select_n3A_168 = arith.select %eq3A_163, %broadcast_in_dim3A_166, %broadcast_in_dim3A_167 : vector<256x128xi1>, vector<256x128xi32>
    %get3A_169 = arith.constant 0 : index
    %get3A_170 = arith.constant 512 : index
    %get3A_171 = vector.load %arg4[%get3A_169, %get3A_170] : memref<1x2048xi32, #tpu.memory_space<vmem>>, vector<1x128xi32>
    %reduce_sum3A_172 = arith.constant dense<0> : vector<128xi32>
    %reduce_sum3A_173 = vector.multi_reduction <add>, %select_n3A_168, %reduce_sum3A_172 [0] : vector<256x128xi32> to vector<128xi32>
    %broadcast_in_dim3A_174 = vector.shape_cast %reduce_sum3A_173 : vector<128xi32> to vector<1x128xi32>
    %add3A_175 = arith.addi %get3A_171, %broadcast_in_dim3A_174 : vector<1x128xi32>
    %swap3A_176 = arith.constant 0 : index
    %swap3A_177 = arith.constant 512 : index
    %swap3A_178 = vector.load %arg4[%swap3A_176, %swap3A_177] : memref<1x2048xi32, #tpu.memory_space<vmem>>, vector<1x128xi32>
    tpu.vector_store %arg4[%swap3A_176, %swap3A_177], %add3A_175 {strides = array<i32>} : memref<1x2048xi32, #tpu.memory_space<vmem>>, vector<1x128xi32>,
    %get3A_179 = arith.constant 0 : index
    %get3A_180 = arith.constant 640 : index
    %get3A_181 = vector.load %arg3[%get3A_179, %get3A_180] : memref<1x2048xi32, #tpu.memory_space<vmem>>, vector<1x128xi32>
    %eq3A_182 = vector.broadcast %broadcast_in_dim3A_72 : vector<256x1xi32> to vector<256x128xi32>
    %eq3A_183 = vector.broadcast %get3A_181 : vector<1x128xi32> to vector<256x128xi32>
    %eq3A_184 = arith.cmpi eq, %eq3A_182, %eq3A_183 : vector<256x128xi32>
    %jit3A_185 = arith.constant 0 : i32
    %broadcast_in_dim3A_186 = vector.shape_cast %add3A_3 : vector<256x1xi32> to vector<256x1xi32>
    %broadcast_in_dim3A_187 = vector.broadcast %broadcast_in_dim3A_186 : vector<256x1xi32> to vector<256x128xi32>
    %broadcast_in_dim3A_188 = vector.broadcast %jit3A_185 : i32 to vector<256x128xi32>
    %select_n3A_189 = arith.select %eq3A_184, %broadcast_in_dim3A_187, %broadcast_in_dim3A_188 : vector<256x128xi1>, vector<256x128xi32>
    %get3A_190 = arith.constant 0 : index
    %get3A_191 = arith.constant 640 : index
    %get3A_192 = vector.load %arg4[%get3A_190, %get3A_191] : memref<1x2048xi32, #tpu.memory_space<vmem>>, vector<1x128xi32>
    %reduce_sum3A_193 = arith.constant dense<0> : vector<128xi32>
    %reduce_sum3A_194 = vector.multi_reduction <add>, %select_n3A_189, %reduce_sum3A_193 [0] : vector<256x128xi32> to vector<128xi32>
    %broadcast_in_dim3A_195 = vector.shape_cast %reduce_sum3A_194 : vector<128xi32> to vector<1x128xi32>
    %add3A_196 = arith.addi %get3A_192, %broadcast_in_dim3A_195 : vector<1x128xi32>
    %swap3A_197 = arith.constant 0 : index
    %swap3A_198 = arith.constant 640 : index
    %swap3A_199 = vector.load %arg4[%swap3A_197, %swap3A_198] : memref<1x2048xi32, #tpu.memory_space<vmem>>, vector<1x128xi32>
    tpu.vector_store %arg4[%swap3A_197, %swap3A_198], %add3A_196 {strides = array<i32>} : memref<1x2048xi32, #tpu.memory_space<vmem>>, vector<1x128xi32>,
    %get3A_200 = arith.constant 0 : index
    %get3A_201 = arith.constant 768 : index
    %get3A_202 = vector.load %arg3[%get3A_200, %get3A_201] : memref<1x2048xi32, #tpu.memory_space<vmem>>, vector<1x128xi32>
    %eq3A_203 = vector.broadcast %broadcast_in_dim3A_72 : vector<256x1xi32> to vector<256x128xi32>
    %eq3A_204 = vector.broadcast %get3A_202 : vector<1x128xi32> to vector<256x128xi32>
    %eq3A_205 = arith.cmpi eq, %eq3A_203, %eq3A_204 : vector<256x128xi32>
    %jit3A_206 = arith.constant 0 : i32
    %broadcast_in_dim3A_207 = vector.shape_cast %add3A_3 : vector<256x1xi32> to vector<256x1xi32>
    %broadcast_in_dim3A_208 = vector.broadcast %broadcast_in_dim3A_207 : vector<256x1xi32> to vector<256x128xi32>
    %broadcast_in_dim3A_209 = vector.broadcast %jit3A_206 : i32 to vector<256x128xi32>
    %select_n3A_210 = arith.select %eq3A_205, %broadcast_in_dim3A_208, %broadcast_in_dim3A_209 : vector<256x128xi1>, vector<256x128xi32>
    %get3A_211 = arith.constant 0 : index
    %get3A_212 = arith.constant 768 : index
    %get3A_213 = vector.load %arg4[%get3A_211, %get3A_212] : memref<1x2048xi32, #tpu.memory_space<vmem>>, vector<1x128xi32>
    %reduce_sum3A_214 = arith.constant dense<0> : vector<128xi32>
    %reduce_sum3A_215 = vector.multi_reduction <add>, %select_n3A_210, %reduce_sum3A_214 [0] : vector<256x128xi32> to vector<128xi32>
    %broadcast_in_dim3A_216 = vector.shape_cast %reduce_sum3A_215 : vector<128xi32> to vector<1x128xi32>
    %add3A_217 = arith.addi %get3A_213, %broadcast_in_dim3A_216 : vector<1x128xi32>
    %swap3A_218 = arith.constant 0 : index
    %swap3A_219 = arith.constant 768 : index
    %swap3A_220 = vector.load %arg4[%swap3A_218, %swap3A_219] : memref<1x2048xi32, #tpu.memory_space<vmem>>, vector<1x128xi32>
    tpu.vector_store %arg4[%swap3A_218, %swap3A_219], %add3A_217 {strides = array<i32>} : memref<1x2048xi32, #tpu.memory_space<vmem>>, vector<1x128xi32>,
    %get3A_221 = arith.constant 0 : index
    %get3A_222 = arith.constant 896 : index
    %get3A_223 = vector.load %arg3[%get3A_221, %get3A_222] : memref<1x2048xi32, #tpu.memory_space<vmem>>, vector<1x128xi32>
    %eq3A_224 = vector.broadcast %broadcast_in_dim3A_72 : vector<256x1xi32> to vector<256x128xi32>
    %eq3A_225 = vector.broadcast %get3A_223 : vector<1x128xi32> to vector<256x128xi32>
    %eq3A_226 = arith.cmpi eq, %eq3A_224, %eq3A_225 : vector<256x128xi32>
    %jit3A_227 = arith.constant 0 : i32
    %broadcast_in_dim3A_228 = vector.shape_cast %add3A_3 : vector<256x1xi32> to vector<256x1xi32>
    %broadcast_in_dim3A_229 = vector.broadcast %broadcast_in_dim3A_228 : vector<256x1xi32> to vector<256x128xi32>
    %broadcast_in_dim3A_230 = vector.broadcast %jit3A_227 : i32 to vector<256x128xi32>
    %select_n3A_231 = arith.select %eq3A_226, %broadcast_in_dim3A_229, %broadcast_in_dim3A_230 : vector<256x128xi1>, vector<256x128xi32>
    %get3A_232 = arith.constant 0 : index
    %get3A_233 = arith.constant 896 : index
    %get3A_234 = vector.load %arg4[%get3A_232, %get3A_233] : memref<1x2048xi32, #tpu.memory_space<vmem>>, vector<1x128xi32>
    %reduce_sum3A_235 = arith.constant dense<0> : vector<128xi32>
    %reduce_sum3A_236 = vector.multi_reduction <add>, %select_n3A_231, %reduce_sum3A_235 [0] : vector<256x128xi32> to vector<128xi32>
    %broadcast_in_dim3A_237 = vector.shape_cast %reduce_sum3A_236 : vector<128xi32> to vector<1x128xi32>
    %add3A_238 = arith.addi %get3A_234, %broadcast_in_dim3A_237 : vector<1x128xi32>
    %swap3A_239 = arith.constant 0 : index
    %swap3A_240 = arith.constant 896 : index
    %swap3A_241 = vector.load %arg4[%swap3A_239, %swap3A_240] : memref<1x2048xi32, #tpu.memory_space<vmem>>, vector<1x128xi32>
    tpu.vector_store %arg4[%swap3A_239, %swap3A_240], %add3A_238 {strides = array<i32>} : memref<1x2048xi32, #tpu.memory_space<vmem>>, vector<1x128xi32>,
    %get3A_242 = arith.constant 0 : index
    %get3A_243 = arith.constant 1024 : index
    %get3A_244 = vector.load %arg3[%get3A_242, %get3A_243] : memref<1x2048xi32, #tpu.memory_space<vmem>>, vector<1x128xi32>
    %eq3A_245 = vector.broadcast %broadcast_in_dim3A_72 : vector<256x1xi32> to vector<256x128xi32>
    %eq3A_246 = vector.broadcast %get3A_244 : vector<1x128xi32> to vector<256x128xi32>
    %eq3A_247 = arith.cmpi eq, %eq3A_245, %eq3A_246 : vector<256x128xi32>
    %jit3A_248 = arith.constant 0 : i32
    %broadcast_in_dim3A_249 = vector.shape_cast %add3A_3 : vector<256x1xi32> to vector<256x1xi32>
    %broadcast_in_dim3A_250 = vector.broadcast %broadcast_in_dim3A_249 : vector<256x1xi32> to vector<256x128xi32>
    %broadcast_in_dim3A_251 = vector.broadcast %jit3A_248 : i32 to vector<256x128xi32>
    %select_n3A_252 = arith.select %eq3A_247, %broadcast_in_dim3A_250, %broadcast_in_dim3A_251 : vector<256x128xi1>, vector<256x128xi32>
    %get3A_253 = arith.constant 0 : index
    %get3A_254 = arith.constant 1024 : index
    %get3A_255 = vector.load %arg4[%get3A_253, %get3A_254] : memref<1x2048xi32, #tpu.memory_space<vmem>>, vector<1x128xi32>
    %reduce_sum3A_256 = arith.constant dense<0> : vector<128xi32>
    %reduce_sum3A_257 = vector.multi_reduction <add>, %select_n3A_252, %reduce_sum3A_256 [0] : vector<256x128xi32> to vector<128xi32>
    %broadcast_in_dim3A_258 = vector.shape_cast %reduce_sum3A_257 : vector<128xi32> to vector<1x128xi32>
    %add3A_259 = arith.addi %get3A_255, %broadcast_in_dim3A_258 : vector<1x128xi32>
    %swap3A_260 = arith.constant 0 : index
    %swap3A_261 = arith.constant 1024 : index
    %swap3A_262 = vector.load %arg4[%swap3A_260, %swap3A_261] : memref<1x2048xi32, #tpu.memory_space<vmem>>, vector<1x128xi32>
    tpu.vector_store %arg4[%swap3A_260, %swap3A_261], %add3A_259 {strides = array<i32>} : memref<1x2048xi32, #tpu.memory_space<vmem>>, vector<1x128xi32>,
    %get3A_263 = arith.constant 0 : index
    %get3A_264 = arith.constant 1152 : index
    %get3A_265 = vector.load %arg3[%get3A_263, %get3A_264] : memref<1x2048xi32, #tpu.memory_space<vmem>>, vector<1x128xi32>
    %eq3A_266 = vector.broadcast %broadcast_in_dim3A_72 : vector<256x1xi32> to vector<256x128xi32>
    %eq3A_267 = vector.broadcast %get3A_265 : vector<1x128xi32> to vector<256x128xi32>
    %eq3A_268 = arith.cmpi eq, %eq3A_266, %eq3A_267 : vector<256x128xi32>
    %jit3A_269 = arith.constant 0 : i32
    %broadcast_in_dim3A_270 = vector.shape_cast %add3A_3 : vector<256x1xi32> to vector<256x1xi32>
    %broadcast_in_dim3A_271 = vector.broadcast %broadcast_in_dim3A_270 : vector<256x1xi32> to vector<256x128xi32>
    %broadcast_in_dim3A_272 = vector.broadcast %jit3A_269 : i32 to vector<256x128xi32>
    %select_n3A_273 = arith.select %eq3A_268, %broadcast_in_dim3A_271, %broadcast_in_dim3A_272 : vector<256x128xi1>, vector<256x128xi32>
    %get3A_274 = arith.constant 0 : index
    %get3A_275 = arith.constant 1152 : index
    %get3A_276 = vector.load %arg4[%get3A_274, %get3A_275] : memref<1x2048xi32, #tpu.memory_space<vmem>>, vector<1x128xi32>
    %reduce_sum3A_277 = arith.constant dense<0> : vector<128xi32>
    %reduce_sum3A_278 = vector.multi_reduction <add>, %select_n3A_273, %reduce_sum3A_277 [0] : vector<256x128xi32> to vector<128xi32>
    %broadcast_in_dim3A_279 = vector.shape_cast %reduce_sum3A_278 : vector<128xi32> to vector<1x128xi32>
    %add3A_280 = arith.addi %get3A_276, %broadcast_in_dim3A_279 : vector<1x128xi32>
    %swap3A_281 = arith.constant 0 : index
    %swap3A_282 = arith.constant 1152 : index
    %swap3A_283 = vector.load %arg4[%swap3A_281, %swap3A_282] : memref<1x2048xi32, #tpu.memory_space<vmem>>, vector<1x128xi32>
    tpu.vector_store %arg4[%swap3A_281, %swap3A_282], %add3A_280 {strides = array<i32>} : memref<1x2048xi32, #tpu.memory_space<vmem>>, vector<1x128xi32>,
    %get3A_284 = arith.constant 0 : index
    %get3A_285 = arith.constant 1280 : index
    %get3A_286 = vector.load %arg3[%get3A_284, %get3A_285] : memref<1x2048xi32, #tpu.memory_space<vmem>>, vector<1x128xi32>
    %eq3A_287 = vector.broadcast %broadcast_in_dim3A_72 : vector<256x1xi32> to vector<256x128xi32>
    %eq3A_288 = vector.broadcast %get3A_286 : vector<1x128xi32> to vector<256x128xi32>
    %eq3A_289 = arith.cmpi eq, %eq3A_287, %eq3A_288 : vector<256x128xi32>
    %jit3A_290 = arith.constant 0 : i32
    %broadcast_in_dim3A_291 = vector.shape_cast %add3A_3 : vector<256x1xi32> to vector<256x1xi32>
    %broadcast_in_dim3A_292 = vector.broadcast %broadcast_in_dim3A_291 : vector<256x1xi32> to vector<256x128xi32>
    %broadcast_in_dim3A_293 = vector.broadcast %jit3A_290 : i32 to vector<256x128xi32>
    %select_n3A_294 = arith.select %eq3A_289, %broadcast_in_dim3A_292, %broadcast_in_dim3A_293 : vector<256x128xi1>, vector<256x128xi32>
    %get3A_295 = arith.constant 0 : index
    %get3A_296 = arith.constant 1280 : index
    %get3A_297 = vector.load %arg4[%get3A_295, %get3A_296] : memref<1x2048xi32, #tpu.memory_space<vmem>>, vector<1x128xi32>
    %reduce_sum3A_298 = arith.constant dense<0> : vector<128xi32>
    %reduce_sum3A_299 = vector.multi_reduction <add>, %select_n3A_294, %reduce_sum3A_298 [0] : vector<256x128xi32> to vector<128xi32>
    %broadcast_in_dim3A_300 = vector.shape_cast %reduce_sum3A_299 : vector<128xi32> to vector<1x128xi32>
    %add3A_301 = arith.addi %get3A_297, %broadcast_in_dim3A_300 : vector<1x128xi32>
    %swap3A_302 = arith.constant 0 : index
    %swap3A_303 = arith.constant 1280 : index
    %swap3A_304 = vector.load %arg4[%swap3A_302, %swap3A_303] : memref<1x2048xi32, #tpu.memory_space<vmem>>, vector<1x128xi32>
    tpu.vector_store %arg4[%swap3A_302, %swap3A_303], %add3A_301 {strides = array<i32>} : memref<1x2048xi32, #tpu.memory_space<vmem>>, vector<1x128xi32>,
    %get3A_305 = arith.constant 0 : index
    %get3A_306 = arith.constant 1408 : index
    %get3A_307 = vector.load %arg3[%get3A_305, %get3A_306] : memref<1x2048xi32, #tpu.memory_space<vmem>>, vector<1x128xi32>
    %eq3A_308 = vector.broadcast %broadcast_in_dim3A_72 : vector<256x1xi32> to vector<256x128xi32>
    %eq3A_309 = vector.broadcast %get3A_307 : vector<1x128xi32> to vector<256x128xi32>
    %eq3A_310 = arith.cmpi eq, %eq3A_308, %eq3A_309 : vector<256x128xi32>
    %jit3A_311 = arith.constant 0 : i32
    %broadcast_in_dim3A_312 = vector.shape_cast %add3A_3 : vector<256x1xi32> to vector<256x1xi32>
    %broadcast_in_dim3A_313 = vector.broadcast %broadcast_in_dim3A_312 : vector<256x1xi32> to vector<256x128xi32>
    %broadcast_in_dim3A_314 = vector.broadcast %jit3A_311 : i32 to vector<256x128xi32>
    %select_n3A_315 = arith.select %eq3A_310, %broadcast_in_dim3A_313, %broadcast_in_dim3A_314 : vector<256x128xi1>, vector<256x128xi32>
    %get3A_316 = arith.constant 0 : index
    %get3A_317 = arith.constant 1408 : index
    %get3A_318 = vector.load %arg4[%get3A_316, %get3A_317] : memref<1x2048xi32, #tpu.memory_space<vmem>>, vector<1x128xi32>
    %reduce_sum3A_319 = arith.constant dense<0> : vector<128xi32>
    %reduce_sum3A_320 = vector.multi_reduction <add>, %select_n3A_315, %reduce_sum3A_319 [0] : vector<256x128xi32> to vector<128xi32>
    %broadcast_in_dim3A_321 = vector.shape_cast %reduce_sum3A_320 : vector<128xi32> to vector<1x128xi32>
    %add3A_322 = arith.addi %get3A_318, %broadcast_in_dim3A_321 : vector<1x128xi32>
    %swap3A_323 = arith.constant 0 : index
    %swap3A_324 = arith.constant 1408 : index
    %swap3A_325 = vector.load %arg4[%swap3A_323, %swap3A_324] : memref<1x2048xi32, #tpu.memory_space<vmem>>, vector<1x128xi32>
    tpu.vector_store %arg4[%swap3A_323, %swap3A_324], %add3A_322 {strides = array<i32>} : memref<1x2048xi32, #tpu.memory_space<vmem>>, vector<1x128xi32>,
    %get3A_326 = arith.constant 0 : index
    %get3A_327 = arith.constant 1536 : index
    %get3A_328 = vector.load %arg3[%get3A_326, %get3A_327] : memref<1x2048xi32, #tpu.memory_space<vmem>>, vector<1x128xi32>
    %eq3A_329 = vector.broadcast %broadcast_in_dim3A_72 : vector<256x1xi32> to vector<256x128xi32>
    %eq3A_330 = vector.broadcast %get3A_328 : vector<1x128xi32> to vector<256x128xi32>
    %eq3A_331 = arith.cmpi eq, %eq3A_329, %eq3A_330 : vector<256x128xi32>
    %jit3A_332 = arith.constant 0 : i32
    %broadcast_in_dim3A_333 = vector.shape_cast %add3A_3 : vector<256x1xi32> to vector<256x1xi32>
    %broadcast_in_dim3A_334 = vector.broadcast %broadcast_in_dim3A_333 : vector<256x1xi32> to vector<256x128xi32>
    %broadcast_in_dim3A_335 = vector.broadcast %jit3A_332 : i32 to vector<256x128xi32>
    %select_n3A_336 = arith.select %eq3A_331, %broadcast_in_dim3A_334, %broadcast_in_dim3A_335 : vector<256x128xi1>, vector<256x128xi32>
    %get3A_337 = arith.constant 0 : index
    %get3A_338 = arith.constant 1536 : index
    %get3A_339 = vector.load %arg4[%get3A_337, %get3A_338] : memref<1x2048xi32, #tpu.memory_space<vmem>>, vector<1x128xi32>
    %reduce_sum3A_340 = arith.constant dense<0> : vector<128xi32>
    %reduce_sum3A_341 = vector.multi_reduction <add>, %select_n3A_336, %reduce_sum3A_340 [0] : vector<256x128xi32> to vector<128xi32>
    %broadcast_in_dim3A_342 = vector.shape_cast %reduce_sum3A_341 : vector<128xi32> to vector<1x128xi32>
    %add3A_343 = arith.addi %get3A_339, %broadcast_in_dim3A_342 : vector<1x128xi32>
    %swap3A_344 = arith.constant 0 : index
    %swap3A_345 = arith.constant 1536 : index
    %swap3A_346 = vector.load %arg4[%swap3A_344, %swap3A_345] : memref<1x2048xi32, #tpu.memory_space<vmem>>, vector<1x128xi32>
    tpu.vector_store %arg4[%swap3A_344, %swap3A_345], %add3A_343 {strides = array<i32>} : memref<1x2048xi32, #tpu.memory_space<vmem>>, vector<1x128xi32>,
    %get3A_347 = arith.constant 0 : index
    %get3A_348 = arith.constant 1664 : index
    %get3A_349 = vector.load %arg3[%get3A_347, %get3A_348] : memref<1x2048xi32, #tpu.memory_space<vmem>>, vector<1x128xi32>
    %eq3A_350 = vector.broadcast %broadcast_in_dim3A_72 : vector<256x1xi32> to vector<256x128xi32>
    %eq3A_351 = vector.broadcast %get3A_349 : vector<1x128xi32> to vector<256x128xi32>
    %eq3A_352 = arith.cmpi eq, %eq3A_350, %eq3A_351 : vector<256x128xi32>
    %jit3A_353 = arith.constant 0 : i32
    %broadcast_in_dim3A_354 = vector.shape_cast %add3A_3 : vector<256x1xi32> to vector<256x1xi32>
    %broadcast_in_dim3A_355 = vector.broadcast %broadcast_in_dim3A_354 : vector<256x1xi32> to vector<256x128xi32>
    %broadcast_in_dim3A_356 = vector.broadcast %jit3A_353 : i32 to vector<256x128xi32>
    %select_n3A_357 = arith.select %eq3A_352, %broadcast_in_dim3A_355, %broadcast_in_dim3A_356 : vector<256x128xi1>, vector<256x128xi32>
    %get3A_358 = arith.constant 0 : index
    %get3A_359 = arith.constant 1664 : index
    %get3A_360 = vector.load %arg4[%get3A_358, %get3A_359] : memref<1x2048xi32, #tpu.memory_space<vmem>>, vector<1x128xi32>
    %reduce_sum3A_361 = arith.constant dense<0> : vector<128xi32>
    %reduce_sum3A_362 = vector.multi_reduction <add>, %select_n3A_357, %reduce_sum3A_361 [0] : vector<256x128xi32> to vector<128xi32>
    %broadcast_in_dim3A_363 = vector.shape_cast %reduce_sum3A_362 : vector<128xi32> to vector<1x128xi32>
    %add3A_364 = arith.addi %get3A_360, %broadcast_in_dim3A_363 : vector<1x128xi32>
    %swap3A_365 = arith.constant 0 : index
    %swap3A_366 = arith.constant 1664 : index
    %swap3A_367 = vector.load %arg4[%swap3A_365, %swap3A_366] : memref<1x2048xi32, #tpu.memory_space<vmem>>, vector<1x128xi32>
    tpu.vector_store %arg4[%swap3A_365, %swap3A_366], %add3A_364 {strides = array<i32>} : memref<1x2048xi32, #tpu.memory_space<vmem>>, vector<1x128xi32>,
    %get3A_368 = arith.constant 0 : index
    %get3A_369 = arith.constant 1792 : index
    %get3A_370 = vector.load %arg3[%get3A_368, %get3A_369] : memref<1x2048xi32, #tpu.memory_space<vmem>>, vector<1x128xi32>
    %eq3A_371 = vector.broadcast %broadcast_in_dim3A_72 : vector<256x1xi32> to vector<256x128xi32>
    %eq3A_372 = vector.broadcast %get3A_370 : vector<1x128xi32> to vector<256x128xi32>
    %eq3A_373 = arith.cmpi eq, %eq3A_371, %eq3A_372 : vector<256x128xi32>
    %jit3A_374 = arith.constant 0 : i32
    %broadcast_in_dim3A_375 = vector.shape_cast %add3A_3 : vector<256x1xi32> to vector<256x1xi32>
    %broadcast_in_dim3A_376 = vector.broadcast %broadcast_in_dim3A_375 : vector<256x1xi32> to vector<256x128xi32>
    %broadcast_in_dim3A_377 = vector.broadcast %jit3A_374 : i32 to vector<256x128xi32>
    %select_n3A_378 = arith.select %eq3A_373, %broadcast_in_dim3A_376, %broadcast_in_dim3A_377 : vector<256x128xi1>, vector<256x128xi32>
    %get3A_379 = arith.constant 0 : index
    %get3A_380 = arith.constant 1792 : index
    %get3A_381 = vector.load %arg4[%get3A_379, %get3A_380] : memref<1x2048xi32, #tpu.memory_space<vmem>>, vector<1x128xi32>
    %reduce_sum3A_382 = arith.constant dense<0> : vector<128xi32>
    %reduce_sum3A_383 = vector.multi_reduction <add>, %select_n3A_378, %reduce_sum3A_382 [0] : vector<256x128xi32> to vector<128xi32>
    %broadcast_in_dim3A_384 = vector.shape_cast %reduce_sum3A_383 : vector<128xi32> to vector<1x128xi32>
    %add3A_385 = arith.addi %get3A_381, %broadcast_in_dim3A_384 : vector<1x128xi32>
    %swap3A_386 = arith.constant 0 : index
    %swap3A_387 = arith.constant 1792 : index
    %swap3A_388 = vector.load %arg4[%swap3A_386, %swap3A_387] : memref<1x2048xi32, #tpu.memory_space<vmem>>, vector<1x128xi32>
    tpu.vector_store %arg4[%swap3A_386, %swap3A_387], %add3A_385 {strides = array<i32>} : memref<1x2048xi32, #tpu.memory_space<vmem>>, vector<1x128xi32>,
    %get3A_389 = arith.constant 0 : index
    %get3A_390 = arith.constant 1920 : index
    %get3A_391 = vector.load %arg3[%get3A_389, %get3A_390] : memref<1x2048xi32, #tpu.memory_space<vmem>>, vector<1x128xi32>
    %eq3A_392 = vector.broadcast %broadcast_in_dim3A_72 : vector<256x1xi32> to vector<256x128xi32>
    %eq3A_393 = vector.broadcast %get3A_391 : vector<1x128xi32> to vector<256x128xi32>
    %eq3A_394 = arith.cmpi eq, %eq3A_392, %eq3A_393 : vector<256x128xi32>
    %jit3A_395 = arith.constant 0 : i32
    %broadcast_in_dim3A_396 = vector.shape_cast %add3A_3 : vector<256x1xi32> to vector<256x1xi32>
    %broadcast_in_dim3A_397 = vector.broadcast %broadcast_in_dim3A_396 : vector<256x1xi32> to vector<256x128xi32>
    %broadcast_in_dim3A_398 = vector.broadcast %jit3A_395 : i32 to vector<256x128xi32>
    %select_n3A_399 = arith.select %eq3A_394, %broadcast_in_dim3A_397, %broadcast_in_dim3A_398 : vector<256x128xi1>, vector<256x128xi32>
    %get3A_400 = arith.constant 0 : index
    %get3A_401 = arith.constant 1920 : index
    %get3A_402 = vector.load %arg4[%get3A_400, %get3A_401] : memref<1x2048xi32, #tpu.memory_space<vmem>>, vector<1x128xi32>
    %reduce_sum3A_403 = arith.constant dense<0> : vector<128xi32>
    %reduce_sum3A_404 = vector.multi_reduction <add>, %select_n3A_399, %reduce_sum3A_403 [0] : vector<256x128xi32> to vector<128xi32>
    %broadcast_in_dim3A_405 = vector.shape_cast %reduce_sum3A_404 : vector<128xi32> to vector<1x128xi32>
    %add3A_406 = arith.addi %get3A_402, %broadcast_in_dim3A_405 : vector<1x128xi32>
    %swap3A_407 = arith.constant 0 : index
    %swap3A_408 = arith.constant 1920 : index
    %swap3A_409 = vector.load %arg4[%swap3A_407, %swap3A_408] : memref<1x2048xi32, #tpu.memory_space<vmem>>, vector<1x128xi32>
    tpu.vector_store %arg4[%swap3A_407, %swap3A_408], %add3A_406 {strides = array<i32>} : memref<1x2048xi32, #tpu.memory_space<vmem>>, vector<1x128xi32>,
    return
  }
  func.func @transform_0(%arg0: i32) -> (i32, i32) {
    %c0_i32 = arith.constant 0 : i32
    %c0_i32_0 = arith.constant 0 : i32
    return %arg0, %c0_i32 : i32, i32
  }
  func.func @transform_1(%arg0: i32) -> (i32, i32) {
    %c0_i32 = arith.constant 0 : i32
    %c0_i32_0 = arith.constant 0 : i32
    %c0_i32_1 = arith.constant 0 : i32
    return %c0_i32, %c0_i32_0 : i32, i32
  }
  func.func @transform_2(%arg0: i32) -> (i32, i32) {
    %c0_i32 = arith.constant 0 : i32
    %c0_i32_0 = arith.constant 0 : i32
    %c0_i32_1 = arith.constant 0 : i32
    return %c0_i32, %c0_i32_0 : i32, i32
  }
  func.func @transform_3(%arg0: i32) -> (i32, i32) {
    %c0_i32 = arith.constant 0 : i32
    %c0_i32_0 = arith.constant 0 : i32
    %c0_i32_1 = arith.constant 0 : i32
    return %c0_i32, %c0_i32_0 : i32, i32
  }
}

module attributes {stable_mosaic.version = 14 : i64} {
  func.func @_mlp_body(%arg0: i32, %arg1: memref<8000x128xf32, #tpu.memory_space<vmem>>, %arg2: memref<128x128xbf16, #tpu.memory_space<vmem>>, %arg3: memref<1x128xf32, #tpu.memory_space<vmem>>, %arg4: memref<128x1xbf16, #tpu.memory_space<vmem>>, %arg5: memref<1x1xf32, #tpu.memory_space<vmem>>, %arg6: memref<8000x1xf32, #tpu.memory_space<vmem>>) attributes {dimension_semantics = [#tpu.dimension_semantics<arbitrary>], iteration_bounds = array<i64: 40>, scalar_prefetch = 0 : i64, scratch_operands = 0 : i64, tpu.core_type = #tpu.core_type<tc>, window_params = [{transform_indices = @transform_0, window_bounds = array<i64: 8000, 128>}, {pipeline_mode = #tpu.pipeline_mode<synchronous>, transform_indices = @transform_1, window_bounds = array<i64: 128, 128>}, {pipeline_mode = #tpu.pipeline_mode<synchronous>, transform_indices = @transform_2, window_bounds = array<i64: 1, 128>}, {pipeline_mode = #tpu.pipeline_mode<synchronous>, transform_indices = @transform_3, window_bounds = array<i64: 128, 1>}, {pipeline_mode = #tpu.pipeline_mode<synchronous>, transform_indices = @transform_4, window_bounds = array<i64: 1, 1>}, {transform_indices = @transform_5, window_bounds = array<i64: 8000, 1>}]} {
    %get3A = arith.constant 0 : index
    %get3A_0 = arith.constant 0 : index
    %get3A_1 = vector.load %arg1[%get3A, %get3A_0] : memref<8000x128xf32, #tpu.memory_space<vmem>>, vector<8000x128xf32>
    %convert_element_type3A = arith.truncf %get3A_1 : vector<8000x128xf32> to vector<8000x128xbf16>
    %get3A_2 = arith.constant 0 : index
    %get3A_3 = arith.constant 0 : index
    %get3A_4 = vector.load %arg2[%get3A_2, %get3A_3] : memref<128x128xbf16, #tpu.memory_space<vmem>>, vector<128x128xbf16>
    %dot_general3A = arith.constant dense<0.000000e+00> : vector<8000x128xf32>
    %dot_general3A_5 = tpu.matmul %convert_element_type3A, %get3A_4, %dot_general3A {dimension_numbers = #tpu.dot_dimension_numbers<[1], [0], [0], [1], [0, 0, 1, 1], [], []>, transpose_lhs_hint = false} : vector<8000x128xbf16>, vector<128x128xbf16>, vector<8000x128xf32> -> vector<8000x128xf32>
    %get3A_6 = arith.constant 0 : index
    %get3A_7 = arith.constant 0 : index
    %get3A_8 = vector.load %arg3[%get3A_6, %get3A_7] : memref<1x128xf32, #tpu.memory_space<vmem>>, vector<1x128xf32>
    %add3A = vector.broadcast %get3A_8 : vector<1x128xf32> to vector<8000x128xf32>
    %add3A_9 = arith.addf %dot_general3A_5, %add3A : vector<8000x128xf32>
    %max3A = arith.constant 0.000000e+00 : f32
    %max3A_10 = vector.broadcast %max3A : f32 to vector<8000x128xf32>
    %max3A_11 = arith.maximumf %add3A_9, %max3A_10 : vector<8000x128xf32>
    %convert_element_type3A_12 = arith.truncf %max3A_11 : vector<8000x128xf32> to vector<8000x128xbf16>
    %get3A_13 = arith.constant 0 : index
    %get3A_14 = arith.constant 0 : index
    %get3A_15 = vector.load %arg4[%get3A_13, %get3A_14] : memref<128x1xbf16, #tpu.memory_space<vmem>>, vector<128x1xbf16>
    %dot_general3A_16 = arith.constant dense<0.000000e+00> : vector<8000x1xf32>
    %dot_general3A_17 = tpu.matmul %convert_element_type3A_12, %get3A_15, %dot_general3A_16 {dimension_numbers = #tpu.dot_dimension_numbers<[1], [0], [0], [1], [0, 0, 1, 1], [], []>, transpose_lhs_hint = false} : vector<8000x128xbf16>, vector<128x1xbf16>, vector<8000x1xf32> -> vector<8000x1xf32>
    %get3A_18 = arith.constant 0 : index
    %get3A_19 = arith.constant 0 : index
    %get3A_20 = vector.load %arg5[%get3A_18, %get3A_19] : memref<1x1xf32, #tpu.memory_space<vmem>>, vector<1x1xf32>
    %add3A_21 = vector.broadcast %get3A_20 : vector<1x1xf32> to vector<8000x1xf32>
    %add3A_22 = arith.addf %dot_general3A_17, %add3A_21 : vector<8000x1xf32>
    %swap3A = arith.constant 0 : index
    %swap3A_23 = arith.constant 0 : index
    %swap3A_24 = vector.load %arg6[%swap3A, %swap3A_23] : memref<8000x1xf32, #tpu.memory_space<vmem>>, vector<8000x1xf32>
    tpu.vector_store %arg6[%swap3A, %swap3A_23], %add3A_22 {strides = array<i32>} : memref<8000x1xf32, #tpu.memory_space<vmem>>, vector<8000x1xf32>,
    return
  }
  func.func @transform_0(%arg0: i32) -> (i32, i32) {
    %c0_i32 = arith.constant 0 : i32
    %c0_i32_0 = arith.constant 0 : i32
    return %arg0, %c0_i32 : i32, i32
  }
  func.func @transform_1(%arg0: i32) -> (i32, i32) {
    %c0_i32 = arith.constant 0 : i32
    %c0_i32_0 = arith.constant 0 : i32
    %c0_i32_1 = arith.constant 0 : i32
    return %c0_i32, %c0_i32_0 : i32, i32
  }
  func.func @transform_2(%arg0: i32) -> (i32, i32) {
    %c0_i32 = arith.constant 0 : i32
    %c0_i32_0 = arith.constant 0 : i32
    %c0_i32_1 = arith.constant 0 : i32
    return %c0_i32, %c0_i32_0 : i32, i32
  }
  func.func @transform_3(%arg0: i32) -> (i32, i32) {
    %c0_i32 = arith.constant 0 : i32
    %c0_i32_0 = arith.constant 0 : i32
    %c0_i32_1 = arith.constant 0 : i32
    return %c0_i32, %c0_i32_0 : i32, i32
  }
  func.func @transform_4(%arg0: i32) -> (i32, i32) {
    %c0_i32 = arith.constant 0 : i32
    %c0_i32_0 = arith.constant 0 : i32
    %c0_i32_1 = arith.constant 0 : i32
    return %c0_i32, %c0_i32_0 : i32, i32
  }
  func.func @transform_5(%arg0: i32) -> (i32, i32) {
    %c0_i32 = arith.constant 0 : i32
    %c0_i32_0 = arith.constant 0 : i32
    return %arg0, %c0_i32 : i32, i32
  }
}

</mosaic_0001>

<sc_bundles>
// kernel: kernel.6.cloned.1.call-start
scs
__scs_entry_jumppad:
0x0: {  	(pc) =	sbr.rel $0x88, $3  }
0x1: {  	(tag) =	ssettag $0x0;
	lr =	simm.s32 $0x1  }
0x2: {  	[smem:$0x3F97] =	sst lr;
	_ =	strace $0xD0000000  }
0x3: {  	_ = 	snop  }
0x4: {  	_ = 	snop  }
0x5: {  	_ = 	snop  }
0x6: {  	_ = 	snop  }
0x7: {  	_ = 	snop  }
__scs_overlays_trampoline_lowered:
0x8: {  	[smem:$0x3FA6] =	sst s0  }
0x9: {  	[smem:$0x3FA7] =	sst s1  }
0xa: {  	[smem:$0x3FA8] =	sst s2  }
0xb: {  	[smem:$0x3FA9] =	sst s3  }
0xc: {  	[smem:$0x3FAA] =	sst s4  }
0xd: {  	[smem:$0x3FAB] =	sst s5  }
0xe: {  	[smem:$0x3FAC] =	sst s6  }
0xf: {  	[smem:$0x3FAD] =	sst s7  }
0x10: {  	[smem:$0x3FAE] =	sst s8  }
0x11: {  	[smem:$0x3FAF] =	sst s9;
	s0 =	simm.s32 @!p0 $0x0  }
0x12: {  	s1 =	sld [smem:$0x3F95];
	s0 =	simm.s32 @p0 $0x1  }
0x13: {  	[smem:$0x3FB0] =	sst s0;
	s0 =	simm.s32 @!p1 $0x0  }
0x14: {  	s2 =	sld [smem:$0x3F94];
	s0 =	simm.s32 @p1 $0x1  }
0x15: {  	[smem:$0x3FB1] =	sst s0;
	s0 =	simm.s32 @!p2 $0x0  }
0x16: {  	s3 =	sld [smem:$0x3FDB];
	s0 =	simm.s32 @p2 $0x1  }
0x17: {  	s4 =	simm.s32 $0x1BF5;
	[smem:$0x3FB3] =	sst s0  }
0x18: {  	s0 =	sld [smem:$0x3F96];
	_ =	swait.ge [sflag:s4], $0x0  }
0x19: {  	s7 =	sld [smem:$0x3F97]  }
0x1a: {  	s8 =	sadd.s32 $0xFFFFE003, lr  }
0x1b: {  	s9 =	sadd.s32 $0xFFFFFEF7, lr;
	s5 =	simm.s32 $0xFFFFFFFF;
	p2 =	slt.u32 s8, $0xFFFFF086  }
0x1c: {  	p1 =	slt.u32 s9, $0xF7A;
	s5 =	simm.s32 @!p2 $0x0  }
0x1d: {  	s5 =	simm.s32 @p1 $0x1;
	p0 =	seq.s32 s7, s2  }
0x1e: {  	s7 =	smul.u32 @!p0 $0xF7A, s2;
	p2 =	seq.s32 @!p0 s5, $0x0  }
0x1f: {  	s9 =	smul.u32 $0xF7A, s1;
	s8 =	simm.s32 @!p0 $0x1BF5;
	p2 =	por !p2, p0  }
0x20: {  	[sflag:s8] =	ssyncset.s32 @!p0 $0xFFFFF086;
	s6 =	sadd.s32 @!p0 s3, s7;
	s7 =	simm.s32 @!p0 $0x108  }
0x21: {  	s3 =	sadd.s32 s3, s9;
	s6 =	sadd.s32 @!p0 $0x88, s6;
	s7 =	simm.s32 @p2 $0x1082  }
0x22: {  	[simem:s7], [sflag:s8] =	dma.local @!p0 [hbm:s6], $0xF7A  }
0x23: {  	s9 =	sor.u32 $0xD0000000, s2;
	s6 =	simm.s32 $0x108;
	_ =	swait.ge @!p0 [sflag:s8], $0x0  }
0x24: {  	s3 =	sadd.s32 $0x88, s3;
	s6 =	simm.s32 @!p1 $0x1082;
	[sflag:s4] =	ssyncset.s32 $0xFFFFF086  }
0x25: {  	[simem:s6], [sflag:s4] =	dma.local [hbm:s3], $0xF7A  }
0x26: {  	[smem:$0x3F97] =	sst s1;
	(tag) =	ssettag s2;
	_ =	strace s9  }
0x27: {  	s1 =	sld [smem:$0x3FA7]  }
0x28: {  	s2 =	sld [smem:$0x3FA8]  }
0x29: {  	s4 =	sld [smem:$0x3FAA]  }
0x2a: {  	p0 =	seq.s32 s5, $0x0;
	s5 =	sld [smem:$0x3FAB]  }
0x2b: {  	s6 =	sld [smem:$0x3FAC]  }
0x2c: {  	s7 =	sld [smem:$0x3FAD]  }
0x2d: {  	s3 =	simm.s32 $0x108;
	s8 =	sld [smem:$0x3FAE]  }
0x2e: {  	s3 =	simm.s32 @!p0 $0x1082;
	s9 =	sld [smem:$0x3FAF]  }
0x2f: {  	lr =	sadd.s32 s0, s3;
	s0 =	sld [smem:$0x3FA6]  }
0x30: {  	s3 =	sld [smem:$0x3FA9]  }
0x31: {  	[smem:$0x3FB2] =	sst s10  }
0x32: {  	s10 =	sld [smem:$0x3FB0];
	_ =	sdelay $0x3  }
0x33: {  	p0 =	seq.s32 s10, $0x1;
	s10 =	sld [smem:$0x3FB2];
	_ =	sdelay $0x3  }
0x34: {  	[smem:$0x3FB2] =	sst s10  }
0x35: {  	s10 =	sld [smem:$0x3FB1];
	_ =	sdelay $0x3  }
0x36: {  	p1 =	seq.s32 s10, $0x1;
	s10 =	sld [smem:$0x3FB2];
	_ =	sdelay $0x3  }
0x37: {  	[smem:$0x3FB2] =	sst s10  }
0x38: {  	s10 =	sld [smem:$0x3FB3]  }
0x39: {  	_ = 	snop;
	(pc) =	sbr.ind lr, $3  }
0x3a: {  	_ = 	snop  }
0x3b: {  	_ = 	snop  }
0x3c: {  	p2 =	seq.s32 s10, $0x1;
	s10 =	sld [smem:$0x3FB2]  }
0x3d: {  	_ =	shalt  }
0x3e: {  	_ =	shalt  }
0x3f: {  	_ =	shalt  }
0x40: {  	_ =	shalt  }
0x41: {  	_ =	shalt  }
0x42: {  	_ =	shalt  }
0x43: {  	_ =	shalt  }
0x44: {  	_ =	shalt  }
0x45: {  	_ =	shalt  }
0x46: {  	_ =	shalt  }
0x47: {  	_ =	shalt  }
0x48: {  	_ =	shalt  }
0x49: {  	_ =	shalt  }
0x4a: {  	_ =	shalt  }
0x4b: {  	_ =	shalt  }
0x4c: {  	_ =	shalt  }
0x4d: {  	_ =	shalt  }
0x4e: {  	_ =	shalt  }
0x4f: {  	_ =	shalt  }
0x50: {  	_ =	shalt  }
0x51: {  	_ =	shalt  }
0x52: {  	_ =	shalt  }
0x53: {  	_ =	shalt  }
0x54: {  	_ =	shalt  }
0x55: {  	_ =	shalt  }
0x56: {  	_ =	shalt  }
0x57: {  	_ =	shalt  }
0x58: {  	_ =	shalt  }
0x59: {  	_ =	shalt  }
0x5a: {  	_ =	shalt  }
0x5b: {  	_ =	shalt  }
0x5c: {  	_ =	shalt  }
0x5d: {  	_ =	shalt  }
0x5e: {  	_ =	shalt  }
0x5f: {  	_ =	shalt  }
0x60: {  	_ =	shalt  }
0x61: {  	_ =	shalt  }
0x62: {  	_ =	shalt  }
0x63: {  	_ =	shalt  }
0x64: {  	_ =	shalt  }
0x65: {  	_ =	shalt  }
0x66: {  	_ =	shalt  }
0x67: {  	_ =	shalt  }
0x68: {  	_ =	shalt  }
0x69: {  	_ =	shalt  }
0x6a: {  	_ =	shalt  }
0x6b: {  	_ =	shalt  }
0x6c: {  	_ =	shalt  }
0x6d: {  	_ =	shalt  }
0x6e: {  	_ =	shalt  }
0x6f: {  	_ =	shalt  }
0x70: {  	_ =	shalt  }
0x71: {  	_ =	shalt  }
0x72: {  	_ =	shalt  }
0x73: {  	_ =	shalt  }
0x74: {  	_ =	shalt  }
0x75: {  	_ =	shalt  }
0x76: {  	_ =	shalt  }
0x77: {  	_ =	shalt  }
0x78: {  	_ =	shalt  }
0x79: {  	_ =	shalt  }
0x7a: {  	_ =	shalt  }
0x7b: {  	_ =	shalt  }
0x7c: {  	_ =	shalt  }
0x7d: {  	_ =	shalt  }
0x7e: {  	_ =	shalt  }
0x7f: {  	_ =	shalt  }
0x80: {  	_ =	shalt  }
0x81: {  	_ =	shalt  }
0x82: {  	_ =	shalt  }
0x83: {  	_ =	shalt  }
0x84: {  	_ =	shalt  }
0x85: {  	_ =	shalt  }
0x86: {  	_ =	shalt  }
0x87: {  	_ =	shalt  }
.Lfunc_end0:
.L_simem_size_0:
called_computation_lowered:
.L_overlay_start_0:
0x88: {  	s2 =	sld [smem:$0x3FD9]  }
0x89: {  	s3 =	sld [smem:$0x3FFE];
	_ =	sdelay $0x1  }
0x8a: {  	s1 =	srdreg.scid  }
0x8b: {  	s0 =	sand.u32 $0x1, s1  }
0x8c: {  	s14 =	sshll.u32 s0, $0xA;
	s2 =	sadd.s32 s3, s2  }
0x8d: {  	s2 =	sadd.s32 s2, s14  }
0x8e: {  	[smem:$0x3FBE] =	sst s2  }
0x8f: {  	_ = 	snop  }
0x90: {  	s2 =	sld [smem:$0x3FD0];
	_ =	sdelay $0x2  }
0x91: {  	s15 =	simm.s32 $0xA;
	s4 =	simm.s32 $0x10  }
0x92: {  	[smem:s4], [sflag:s15] =	dma.local [hbm:s2], $0x1  }
0x93: {  	_ =	swait.eq [sflag:s15], $0x1  }
0x94: {  	[sflag:s15] =	ssyncset.done $0x0  }
0x95: {  	[sflag:s15] =	ssyncadd.s32 $0xFFFFFFFF  }
0x96: {  	s16 =	sld [smem:$0x10];
	(tm) =	ssettm $0x1  }
0x97: {  	s17 =	sld [smem:$0x3FFB];
	_ =	sdelay $0x3  }
0x98: {  	_ =	strace s17  }
0x99: {  	s3 =	sld [smem:$0x3FFC];
	_ =	sdelay $0x3  }
0x9a: {  	_ =	strace s3  }
0x9b: {  	s3 =	sld [smem:$0x3FFD];
	_ =	sdelay $0x3  }
0x9c: {  	_ =	strace s3  }
0x9d: {  	_ =	strace $0x8FFFFFFF  }
0x9e: {  	s18 =	sld [smem:$0x3FDB];
	_ =	sdelay $0x1  }
0x9f: {  	s19 =	simm.s32 $_scs_section_size  }
0xa0: {  	s5 =	simm.s32 $_size__tile_overlayer_lowered;
	s6 =	simm.s32 $_tile_overlayer_lowered  }
0xa1: {  	s22 =	simm.s32 $0x1BFF;
	s21 =	sshll.u32 s6, $0x1;
	s3 =	sadd.s32 s19, s18  }
0xa2: {  	s7 =	simm.s32 $0x0;
	s20 =	sshll.u32 s5, $0x1;
	s5 =	sadd.s32 s21, s3  }
0xa3: {  	[timem:s7], [sflag:s22] =	dma.local [hbm:s5], s20  }
0xa4: {  	_ =	swait.ge [sflag:s22], s20  }
0xa5: {  	s4 =	ssub.s32 $0x0, s20;
	[sflag:s22] =	ssyncset.done $0x0  }
0xa6: {  	[sflag:s22] =	ssyncadd.s32 s4;
	_ =	sdelay $0x1  }
0xa7: {  	s23 =	simm.s32 $0x1B8B  }
0xa8: {  	_ =	swait.ge [sflag:s23], $0x1  }
0xa9: {  	[sflag:s23] =	ssyncset.done $0x0  }
0xaa: {  	s25 =	simm.s32 $0x1B8E;
	s24 =	sld [smem:$0x3FFE];
	[sflag:s23] =	ssyncadd.s32 $0xFFFFFFFF  }
0xab: {  	s26 =	simm.s32 $execute0_lowered;
	[smem:$0x3FD2] =	sst s25  }
0xac: {  	s5 =	sshll.u32 s26, $0x1;
	_ =	strace $0x80000046;
	[dreg:$0x1] =	wrdreg $0xFFFFFFFF  }
0xad: {  	s28 =	simm.s32 $_size_execute0_lowered;
	s3 =	sadd.s32 s3, s5;
	[dreg:$0x0] =	wrdreg $0x0  }
0xae: {  	s5 =	sshll.u32 s28, $0x1;
	[dreg:$0x2] =	wrdreg s3  }
0xaf: {  	[dreg:$0x3] =	wrdreg s5  }
0xb0: {  	[dreg:$0x4] =	wrdreg $0xC0  }
0xb1: {  	_ =	task [dreg:s7], $0x5FFFF  }
0xb2: {  	[dreg:$0x1] =	wrdreg $0xFFFFFFFF  }
0xb3: {  	[dreg:$0x0] =	wrdreg $0x60  }
0xb4: {  	[dreg:$0x2] =	wrdreg s24  }
0xb5: {  	[dreg:$0x3] =	wrdreg s16  }
0xb6: {  	[dreg:$0x4] =	wrdreg $0x9  }
0xb7: {  	_ =	task.clear_ibuf [dreg:s7], $0x5FFFF;
	_ =	strace $0x90000046  }
0xb8: {  	s29 =	simm.s32 $0x9;
	_ =	strace $0x80000048  }
0xb9: {  	_ =	swait.ge [sflag:s29], $0x1  }
0xba: {  	[sflag:s29] =	ssyncadd.s32 $0xFFFFFFFF  }
0xbb: {  	_ =	strace $0x90000048  }
0xbc: {  	_ =	sfence  }
0xbd: {  	s30 =	sld [smem:$0x0];
	_ =	sdelay $0x2  }
0xbe: {  	s31 =	sshll.u32 s1, $0xD;
	s1 =	sshrl.u32 s1, $0x2  }
0xbf: {  	s3 =	sand.u32 $0x4000, s31;
	s1 =	sadd.s32 s1, s30  }
0xc0: {  	s0 =	sor.u32 s3, s0;
	s1 =	sshll.u32 s1, $0x11  }
0xc1: {  	s0 =	sor.u32 s1, s0  }
0xc2: {  	s0 =	sadd.s32 $0x8F2B, s0  }
0xc3: {  	[sflag:s0] =	ssyncadd.remote.s32 $0x1  }
0xc4: {  	_ =	sfence.sel $0xFFFF  }
0xc5: {  	[dreg:$0x0] =	wrdreg $0xFFFFFFFF;
	(pc) =	sbr.abs _section_cstart, $3  }
0xc6: {  	[dreg:$0x1] =	wrdreg $0xFFFFFFFF  }
0xc7: {  	_ =	task.clear_ibuf [dreg:s7], $0x2FFFF;
	_ =	strace $0x9FFFFFFF  }
0xc8: {  	(tm) =	ssettm $0x7FFFFFFF  }
0xc9: {  	_ =	shalt  }
tec
execute0_lowered:
.L_overlay_start_1:
0x0: {  	(tag) =	ssettag $0x1  }
0x1: {  	s0 =	rddreg [dreg:$0x0];
	s1 =	srdreg.scid  }
0x2: {  	s2 =	stileid.u32;
	s8 =	rddreg [dreg:$0x1]  }
0x3: {  	s12 =	simm.s32 $0x7;
	s13 =	simm.s32 $0x2780;
	s14 =	simm.s32 $0x50  }
0x4: {  	s15 =	simm.s32 $0x4F00;
	s16 =	simm.s32 $0x7700;
	s17 =	simm.s32 $0x9F00  }
0x5: {  	s19 =	simm.s32 $0xC700;
	s20 =	simm.s32 $0x1;
	s21 =	simm.s32 $0x2  }
0x6: {  	s22 =	simm.s32 $0xEF00;
	s23 =	simm.s32 $0x3;
	s24 =	simm.s32 $0x4  }
0x7: {  	s25 =	simm.s32 $0x11700;
	s26 =	simm.s32 $0x5;
	s28 =	simm.s32 $0x6  }
0x8: {  	s29 =	simm.s32 $0x0;
	s1 =	sand.u32 $0x1, s1;
	s3 =	sshll.u32 s2, $0x1  }
0x9: {  	s2 =	simm.s32 $0x0;
	s4 =	sadd.s32 $0xC800, s0;
	s5 =	sor.u32 s1, s3  }
0xa: {  	s6 =	sadd.s32 $0x5AC00, s0;
	[smem:$0x7FF] =	sst s2;
	s3 =	smul.u32 $0x2710, s5  }
0xb: {  	s1 =	ssub.s32 $0x2, s1;
	_ =	strace $0x80000047;
	s7 =	smul.u32 $0x138800, s5  }
0xc: {  	s5 =	sadd.s32 $0x33A00, s0;
	s30 =	sshrl.u32 s1, $0x1;
	s9 =	sshrl.u32 s3, $0x3  }
0xd: {  	s11 =	sshrl.u32 s7, $0x3;
	s10 =	sadd.s32 s9, s0;
	s0 =	ssub.s32 s1, s30  }
0xe: {  	s31 =	sadd.s32 s6, s11;
	s8 =	sadd.s32 s8, s9;
	s9 =	sadd.s32 $0x50, s3  }
0xf: {  	s7 =	sadd.s32 $0x2A00, s10;
	s10 =	sadd.s32 $0x26C00, s31;
	s11 =	smax.u32 s0, $0x1  }
.LBB2_1:
0x10: {  	[tilespmem:s2], [sflag:$0x7] =	stream.linear.gather [hbm4b:s7+s2], $0x2710, $0x38;
	[tilespmem:$0x13F00] =	vst v63  }
0x11: {  	_ =	swait.ge [sflag:s12], $0x2710  }
0x12: {  	[sflag:s12] =	ssyncset.done $0x0  }
0x13: {  	[sflag:s12] =	ssyncadd.s32 $0xFFFFD8F0  }
0x14: {  	[tilespmem:s13], [sflag:$0x7] =	stream.linear.gather [hbm4b:s8+s2], $0x2710, $0x38;
	[tilespmem:$0x13F00] =	vst v63  }
0x15: {  	_ =	swait.ge [sflag:s12], $0x2710  }
0x16: {  	[sflag:s12] =	ssyncset.done $0x0  }
0x17: {  	[sflag:s12] =	ssyncadd.s32 $0xFFFFD8F0  }
0x18: {  	[tilespmem:s15], [sflag:$0x1] =	stream.indirect.gather [hbm4b:s4+s14], $0x80, s2, s14, $0xb8;
	[tilespmem:$0x13F00] =	vst v63  }
0x19: {  	_ = 	snop  }
0x1a: {  	[tilespmem:s16], [sflag:$0x2] =	stream.indirect.gather [hbm4b:s5+s14], $0x80, s13, s14, $0xb8;
	[tilespmem:$0x13F00] =	vst v63  }
0x1b: {  	_ = 	snop  }
0x1c: {  	[tilespmem:s17], [sflag:$0x3] =	stream.indirect.gather [hbm4b:s4+s14], $0x80, s14, s14, $0xb8;
	[tilespmem:$0x13F00] =	vst v63  }
0x1d: {  	s0 =	simm.s32 $0x27D0;
	s30 =	simm.s32 $0x0  }
0x1e: {  	[tilespmem:s19], [sflag:$0x4] =	stream.indirect.gather [hbm4b:s5+s14], $0x80, s0, s14, $0xb8;
	[tilespmem:$0x13F00] =	vst v63  }
.LBB2_2:
0x1f: {  	_ =	swait.ge [sflag:s20], $0x2800  }
0x20: {  	[sflag:s20] =	ssyncset.done $0x0  }
0x21: {  	[sflag:s20] =	ssyncadd.s32 $0xFFFFD800  }
0x22: {  	_ =	swait.ge [sflag:s21], $0x2800  }
0x23: {  	p0 =	seq.s32 s30, $0x0;
	[sflag:s21] =	ssyncset.done $0x0  }
0x24: {  	s0 =	simm.s32 @!p0 $0x5;
	[sflag:s21] =	ssyncadd.s32 $0xFFFFD800  }
0x25: {  	_ =	swait.ge @!p0 [sflag:s0], $0x2800  }
0x26: {  	[sflag:s0] =	ssyncset.done @!p0 $0x0  }
0x27: {  	s31 =	simm.s32 $0x0;
	[sflag:s0] =	ssyncadd.s32 @!p0 $0xFFFFD800  }
0x28: {  	v0 =	vld [tilespmem:s31+$0x4F70]  }
0x29: {  	v1 =	vld [tilespmem:s31+$0x7770]  }
0x2a: {  	v2 =	vld [tilespmem:s31+$0x4F00]  }
0x2b: {  	v3 =	vld [tilespmem:s31+$0x7700]  }
0x2c: {  	v4 =	vld [tilespmem:s31+$0x4F10]  }
0x2d: {  	v5 =	vld [tilespmem:s31+$0x7710]  }
0x2e: {  	v6 =	vld [tilespmem:s31+$0x4F20]  }
0x2f: {  	v0 =	vadd.f32 v1, v0;
	v1 =	vld [tilespmem:s31+$0x7720]  }
0x30: {  	v7 =	vld [tilespmem:s31+$0x4F30]  }
0x31: {  	v8 =	vld [tilespmem:s31+$0x7730];
	v2 =	vadd.f32 v3, v2  }
0x32: {  	v9 =	vld [tilespmem:s31+$0x4F40];
	v0 =	vmax.f32 v0, $0.0e+00  }
0x33: {  	[tilespmem:s31+$0xEF70] =	vst v0;
	v0 =	vmax.f32 v2, $0.0e+00;
	v2 =	vadd.f32 v5, v4;
	v5 =	vld [tilespmem:s31+$0x7740]  }
0x34: {  	v3 =	vld [tilespmem:s31+$0x7750];
	v1 =	vadd.f32 v1, v6  }
0x35: {  	[tilespmem:s31+$0xEF00] =	vst v0;
	v0 =	vld [tilespmem:s31+$0x4F50];
	v2 =	vmax.f32 v2, $0.0e+00  }
0x36: {  	v4 =	vld [tilespmem:s31+$0x7760];
	v6 =	vadd.f32 v8, v7;
	[tilespmem:s31+$0xEF10] =	vst v2;
	v2 =	vmax.f32 v1, $0.0e+00  }
0x37: {  	s1 =	simm.s32 $0x80;
	v1 =	vld [tilespmem:s31+$0x4F60];
	[tilespmem:s31+$0xEF20] =	vst v2  }
0x38: {  	s0 =	simm.s32 $0x400;
	v6 =	vmax.f32 v6, $0.0e+00;
	v5 =	vadd.f32 v5, v9;
	v2 =	vld [tilespmem:s1+$0x4F70]  }
.LBB2_3:
0x39: {  	p1 =	sne.s32 s0, $0x9E00;
	v7 =	vld [tilespmem:s1+$0x7770];
	[tilespmem:s31+$0xEF30] =	vst v6  }
0x3a: {  	v6 =	vld [tilespmem:s1+$0x4F00];
	v5 =	vmax.f32 v5, $0.0e+00;
	v0 =	vadd.f32 v3, v0  }
0x3b: {  	v3 =	vld [tilespmem:s1+$0x7700];
	[tilespmem:s31+$0xEF40] =	vst v5  }
0x3c: {  	v5 =	vld [tilespmem:s1+$0x4F10];
	v0 =	vmax.f32 v0, $0.0e+00;
	v1 =	vadd.f32 v4, v1  }
0x3d: {  	v4 =	vld [tilespmem:s1+$0x7710];
	[tilespmem:s31+$0xEF50] =	vst v0  }
0x3e: {  	v0 =	vld [tilespmem:s1+$0x4F20];
	v2 =	vadd.f32 v7, v2;
	v1 =	vmax.f32 v1, $0.0e+00  }
0x3f: {  	v7 =	vld [tilespmem:s1+$0x7720];
	[tilespmem:s31+$0xEF60] =	vst v1;
	s31 =	smov.u32 s1  }
0x40: {  	v1 =	vadd.f32 v3, v6;
	v6 =	vld [tilespmem:s31+$0x4F30];
	v2 =	vmax.f32 v2, $0.0e+00  }
0x41: {  	v8 =	vld [tilespmem:s31+$0x7730];
	[tilespmem:s31+$0xEF70] =	vst v2  }
0x42: {  	v1 =	vmax.f32 v1, $0.0e+00;
	v2 =	vadd.f32 v4, v5;
	v5 =	vld [tilespmem:s31+$0x4F40]  }
0x43: {  	[tilespmem:s31+$0xEF00] =	vst v1;
	v9 =	vld [tilespmem:s31+$0x7740]  }
.Ltmp0:
0x44: {  	v1 =	vmax.f32 v2, $0.0e+00;
	v2 =	vadd.f32 v7, v0;
	v0 =	vld [tilespmem:s31+$0x4F50];
	(pc) =	sbr.rel @p1 .LBB2_3-.Ltmp0, $4  }
0x45: {  	[tilespmem:s31+$0xEF10] =	vst v1;
	v3 =	vld [tilespmem:s31+$0x7750]  }
0x46: {  	v2 =	vmax.f32 v2, $0.0e+00;
	v6 =	vadd.f32 v8, v6;
	v1 =	vld [tilespmem:s31+$0x4F60]  }
0x47: {  	s1 =	sshra.s32 s0, $0x2;
	[tilespmem:s31+$0xEF20] =	vst v2;
	v4 =	vld [tilespmem:s31+$0x7760]  }
0x48: {  	s0 =	sadd.s32 $0x200, s0;
	v2 =	vld [tilespmem:s1+$0x4F70];
	v6 =	vmax.f32 v6, $0.0e+00;
	v5 =	vadd.f32 v9, v5  }
0x49: {  	v7 =	vld [tilespmem:s1+$0x7770];
	[tilespmem:s31+$0xEF30] =	vst v6  }
0x4a: {  	v6 =	vld [tilespmem:s1+$0x4F00];
	v5 =	vmax.f32 v5, $0.0e+00;
	v0 =	vadd.f32 v3, v0  }
0x4b: {  	v8 =	vld [tilespmem:s1+$0x7700];
	[tilespmem:s31+$0xEF40] =	vst v5  }
0x4c: {  	v3 =	vld [tilespmem:s1+$0x4F10];
	v0 =	vmax.f32 v0, $0.0e+00;
	v1 =	vadd.f32 v4, v1  }
0x4d: {  	v5 =	vld [tilespmem:s1+$0x7710];
	[tilespmem:s31+$0xEF50] =	vst v0  }
0x4e: {  	v0 =	vld [tilespmem:s1+$0x4F20];
	v1 =	vmax.f32 v1, $0.0e+00  }
0x4f: {  	v4 =	vld [tilespmem:s1+$0x7720];
	v2 =	vadd.f32 v7, v2;
	[tilespmem:s31+$0xEF60] =	vst v1  }
0x50: {  	v6 =	vadd.f32 v8, v6;
	v1 =	vld [tilespmem:s1+$0x4F30]  }
0x51: {  	v2 =	vmax.f32 v2, $0.0e+00;
	v7 =	vld [tilespmem:s1+$0x7730]  }
0x52: {  	[tilespmem:s1+$0xEF70] =	vst v2;
	v2 =	vmax.f32 v6, $0.0e+00;
	v6 =	vld [tilespmem:s1+$0x4F40]  }
0x53: {  	v3 =	vadd.f32 v5, v3;
	v5 =	vld [tilespmem:s1+$0x4F50]  }
0x54: {  	[tilespmem:s1+$0xEF00] =	vst v2;
	v2 =	vld [tilespmem:s1+$0x7740];
	v0 =	vadd.f32 v4, v0  }
0x55: {  	v3 =	vmax.f32 v3, $0.0e+00;
	v4 =	vld [tilespmem:s1+$0x4F60]  }
0x56: {  	[tilespmem:s1+$0xEF10] =	vst v3;
	v3 =	vld [tilespmem:s1+$0x7750];
	v0 =	vmax.f32 v0, $0.0e+00  }
0x57: {  	[tilespmem:s1+$0xEF20] =	vst v0;
	v0 =	vld [tilespmem:s1+$0x7760];
	_ =	sdelay $0x1  }
0x58: {  	v1 =	vadd.f32 v7, v1  }
0x59: {  	v2 =	vadd.f32 v2, v6  }
0x5a: {  	s31 =	smul.u32 $0xA0, s30;
	v1 =	vmax.f32 v1, $0.0e+00;
	v3 =	vadd.f32 v3, v5  }
0x5b: {  	[tilespmem:s1+$0xEF30] =	vst v1;
	v1 =	vmax.f32 v2, $0.0e+00;
	v0 =	vadd.f32 v0, v4  }
0x5c: {  	s0 =	sadd.s32 s3, s31;
	[tilespmem:s1+$0xEF40] =	vst v1;
	v1 =	vmax.f32 v3, $0.0e+00  }
0x5d: {  	s0 =	sshll.u32 s0, $0x4;
	[tilespmem:s1+$0xEF50] =	vst v1;
	v0 =	vmax.f32 v0, $0.0e+00  }
0x5e: {  	s0 =	sadd.s32 s6, s0;
	[tilespmem:s1+$0xEF60] =	vst v0  }
0x5f: {  	[hbm4b:s0+s2] =	stream.linear.scatter [tilespmem:s22], [sflag:$0x5], $0x2800, $0x38;
	[tilespmem:$0x13F00] =	vst v63  }
0x60: {  	s1 =	sadd.s32 $0xA0, s31  }
0x61: {  	[tilespmem:s15], [sflag:$0x1] =	stream.indirect.gather [hbm4b:s4+s14], $0x80, s1, s14, $0xb8;
	[tilespmem:$0x13F00] =	vst v63  }
0x62: {  	s18 =	sadd.s32 $0x2820, s31  }
0x63: {  	[tilespmem:s16], [sflag:$0x2] =	stream.indirect.gather [hbm4b:s5+s14], $0x80, s18, s14, $0xb8;
	[tilespmem:$0x13F00] =	vst v63  }
0x64: {  	_ =	swait.ge [sflag:s23], $0x2800  }
0x65: {  	[sflag:s23] =	ssyncset.done $0x0  }
0x66: {  	[sflag:s23] =	ssyncadd.s32 $0xFFFFD800  }
0x67: {  	_ =	swait.ge [sflag:s24], $0x2800  }
0x68: {  	[sflag:s24] =	ssyncset.done $0x0  }
0x69: {  	s0 =	simm.s32 @!p0 $0x6;
	[sflag:s24] =	ssyncadd.s32 $0xFFFFD800  }
0x6a: {  	_ =	swait.ge @!p0 [sflag:s0], $0x2800  }
0x6b: {  	[sflag:s0] =	ssyncset.done @!p0 $0x0  }
0x6c: {  	s1 =	simm.s32 $0x0;
	[sflag:s0] =	ssyncadd.s32 @!p0 $0xFFFFD800  }
0x6d: {  	v0 =	vld [tilespmem:s1+$0x9F70]  }
0x6e: {  	v1 =	vld [tilespmem:s1+$0xC770]  }
0x6f: {  	v2 =	vld [tilespmem:s1+$0x9F00]  }
0x70: {  	v3 =	vld [tilespmem:s1+$0xC700]  }
0x71: {  	v4 =	vld [tilespmem:s1+$0x9F10]  }
0x72: {  	v5 =	vld [tilespmem:s1+$0xC710]  }
0x73: {  	v6 =	vld [tilespmem:s1+$0x9F20]  }
0x74: {  	v0 =	vadd.f32 v1, v0;
	v1 =	vld [tilespmem:s1+$0xC720]  }
0x75: {  	v7 =	vld [tilespmem:s1+$0x9F30]  }
0x76: {  	v8 =	vld [tilespmem:s1+$0xC730];
	v2 =	vadd.f32 v3, v2  }
0x77: {  	v9 =	vld [tilespmem:s1+$0x9F40];
	v0 =	vmax.f32 v0, $0.0e+00  }
0x78: {  	[tilespmem:s1+$0x11770] =	vst v0;
	v0 =	vmax.f32 v2, $0.0e+00;
	v2 =	vadd.f32 v5, v4;
	v5 =	vld [tilespmem:s1+$0xC740]  }
0x79: {  	v3 =	vld [tilespmem:s1+$0xC750];
	v1 =	vadd.f32 v1, v6  }
0x7a: {  	[tilespmem:s1+$0x11700] =	vst v0;
	v0 =	vld [tilespmem:s1+$0x9F50];
	v2 =	vmax.f32 v2, $0.0e+00  }
0x7b: {  	v4 =	vld [tilespmem:s1+$0xC760];
	v6 =	vadd.f32 v8, v7;
	[tilespmem:s1+$0x11710] =	vst v2;
	v2 =	vmax.f32 v1, $0.0e+00  }
0x7c: {  	s0 =	simm.s32 $0x80;
	v1 =	vld [tilespmem:s1+$0x9F60];
	[tilespmem:s1+$0x11720] =	vst v2  }
0x7d: {  	s18 =	simm.s32 $0x400;
	v6 =	vmax.f32 v6, $0.0e+00;
	v5 =	vadd.f32 v5, v9;
	v2 =	vld [tilespmem:s0+$0x9F70]  }
.LBB2_5:
0x7e: {  	p0 =	sne.s32 s18, $0x9E00;
	v7 =	vld [tilespmem:s0+$0xC770];
	[tilespmem:s1+$0x11730] =	vst v6  }
0x7f: {  	v6 =	vld [tilespmem:s0+$0x9F00];
	v5 =	vmax.f32 v5, $0.0e+00;
	v0 =	vadd.f32 v3, v0  }
0x80: {  	v3 =	vld [tilespmem:s0+$0xC700];
	[tilespmem:s1+$0x11740] =	vst v5  }
0x81: {  	v5 =	vld [tilespmem:s0+$0x9F10];
	v0 =	vmax.f32 v0, $0.0e+00;
	v1 =	vadd.f32 v4, v1  }
0x82: {  	v4 =	vld [tilespmem:s0+$0xC710];
	[tilespmem:s1+$0x11750] =	vst v0  }
0x83: {  	v0 =	vld [tilespmem:s0+$0x9F20];
	v2 =	vadd.f32 v7, v2;
	v1 =	vmax.f32 v1, $0.0e+00  }
0x84: {  	v7 =	vld [tilespmem:s0+$0xC720];
	[tilespmem:s1+$0x11760] =	vst v1;
	s1 =	smov.u32 s0  }
0x85: {  	v1 =	vadd.f32 v3, v6;
	v6 =	vld [tilespmem:s1+$0x9F30];
	v2 =	vmax.f32 v2, $0.0e+00  }
0x86: {  	v8 =	vld [tilespmem:s1+$0xC730];
	[tilespmem:s1+$0x11770] =	vst v2  }
0x87: {  	v1 =	vmax.f32 v1, $0.0e+00;
	v2 =	vadd.f32 v4, v5;
	v5 =	vld [tilespmem:s1+$0x9F40]  }
0x88: {  	[tilespmem:s1+$0x11700] =	vst v1;
	v9 =	vld [tilespmem:s1+$0xC740]  }
.Ltmp1:
0x89: {  	v1 =	vmax.f32 v2, $0.0e+00;
	v2 =	vadd.f32 v7, v0;
	v0 =	vld [tilespmem:s1+$0x9F50];
	(pc) =	sbr.rel @p0 .LBB2_5-.Ltmp1, $4  }
0x8a: {  	[tilespmem:s1+$0x11710] =	vst v1;
	v3 =	vld [tilespmem:s1+$0xC750]  }
0x8b: {  	v2 =	vmax.f32 v2, $0.0e+00;
	v6 =	vadd.f32 v8, v6;
	v1 =	vld [tilespmem:s1+$0x9F60]  }
0x8c: {  	s0 =	sshra.s32 s18, $0x2;
	[tilespmem:s1+$0x11720] =	vst v2;
	v4 =	vld [tilespmem:s1+$0xC760]  }
0x8d: {  	s18 =	sadd.s32 $0x200, s18;
	v2 =	vld [tilespmem:s0+$0x9F70];
	v6 =	vmax.f32 v6, $0.0e+00;
	v5 =	vadd.f32 v9, v5  }
0x8e: {  	v7 =	vld [tilespmem:s0+$0xC770];
	[tilespmem:s1+$0x11730] =	vst v6  }
0x8f: {  	v6 =	vld [tilespmem:s0+$0x9F00];
	v5 =	vmax.f32 v5, $0.0e+00;
	v0 =	vadd.f32 v3, v0  }
0x90: {  	v8 =	vld [tilespmem:s0+$0xC700];
	[tilespmem:s1+$0x11740] =	vst v5  }
0x91: {  	v52 =	vld [tilespmem:s0+$0x9F10];
	v0 =	vmax.f32 v0, $0.0e+00;
	v1 =	vadd.f32 v4, v1  }
0x92: {  	v5 =	vld [tilespmem:s0+$0xC710];
	[tilespmem:s1+$0x11750] =	vst v0  }
0x93: {  	v0 =	vld [tilespmem:s0+$0x9F20];
	v1 =	vmax.f32 v1, $0.0e+00  }
0x94: {  	v53 =	vld [tilespmem:s0+$0xC720];
	[tilespmem:s1+$0x11760] =	vst v1  }
0x95: {  	v1 =	vld [tilespmem:s0+$0x9F30]  }
0x96: {  	v54 =	vld [tilespmem:s0+$0xC730]  }
0x97: {  	v56 =	vld [tilespmem:s0+$0x9F40]  }
0x98: {  	v57 =	vld [tilespmem:s0+$0xC740]  }
0x99: {  	v58 =	vld [tilespmem:s0+$0x9F50]  }
0x9a: {  	v2 =	vadd.f32 v7, v2;
	v59 =	vld [tilespmem:s0+$0xC750]  }
0x9b: {  	v6 =	vadd.f32 v8, v6;
	v60 =	vld [tilespmem:s0+$0x9F60]  }
0x9c: {  	v2 =	vmax.f32 v2, $0.0e+00;
	v61 =	vld [tilespmem:s0+$0xC760];
	v3 =	vadd.f32 v5, v52  }
0x9d: {  	[tilespmem:s0+$0x11770] =	vst v2;
	v55 =	vmax.f32 v6, $0.0e+00;
	v0 =	vadd.f32 v53, v0  }
0x9e: {  	[tilespmem:s0+$0x11700] =	vst v55;
	v3 =	vmax.f32 v3, $0.0e+00;
	v1 =	vadd.f32 v54, v1  }
0x9f: {  	[tilespmem:s0+$0x11710] =	vst v3;
	v0 =	vmax.f32 v0, $0.0e+00;
	v2 =	vadd.f32 v57, v56  }
0xa0: {  	p0 =	seq.s32 s30, $0x3D;
	v3 =	vadd.f32 v59, v58;
	[tilespmem:s0+$0x11720] =	vst v0;
	v1 =	vmax.f32 v1, $0.0e+00  }
.Ltmp2:
0xa1: {  	v0 =	vadd.f32 v61, v60;
	v62 =	vmax.f32 v2, $0.0e+00;
	[tilespmem:s0+$0x11730] =	vst v1;
	(pc) =	sbr.rel @p0 .LBB2_8-.Ltmp2, $4  }
0xa2: {  	s18 =	sadd.s32 s31, s9;
	v63 =	vmax.f32 v3, $0.0e+00;
	[tilespmem:s0+$0x11740] =	vst v62  }
0xa3: {  	s1 =	sshll.u32 s18, $0x4;
	[tilespmem:s0+$0x11750] =	vst v63;
	v0 =	vmax.f32 v0, $0.0e+00  }
0xa4: {  	s18 =	sadd.s32 s6, s1;
	[tilespmem:s0+$0x11760] =	vst v0  }
0xa5: {  	[hbm4b:s18+s2] =	stream.linear.scatter [tilespmem:s25], [sflag:$0x6], $0x2800, $0x38;
	[tilespmem:$0x13F00] =	vst v63  }
.Ltmp3:
0xa6: {  	(pc) =	sbr.rel .LBB2_2-.Ltmp3, $4  }
0xa7: {  	s0 =	sadd.s32 $0xF0, s31  }
0xa8: {  	[tilespmem:s17], [sflag:$0x3] =	stream.indirect.gather [hbm4b:s4+s14], $0x80, s0, s14, $0xb8;
	[tilespmem:$0x13F00] =	vst v63  }
0xa9: {  	s31 =	sadd.s32 $0x2870, s31;
	s30 =	sadd.s32 $0x1, s30  }
0xaa: {  	[tilespmem:s19], [sflag:$0x4] =	stream.indirect.gather [hbm4b:s5+s14], $0x80, s31, s14, $0xb8;
	[tilespmem:$0x13F00] =	vst v63  }
.LBB2_8:
0xab: {  	_ =	swait.ge [sflag:s20], $0x2800  }
0xac: {  	[sflag:s20] =	ssyncset.done $0x0  }
0xad: {  	[sflag:s20] =	ssyncadd.s32 $0xFFFFD800  }
0xae: {  	_ =	swait.ge [sflag:s21], $0x2800  }
0xaf: {  	[sflag:s21] =	ssyncset.done $0x0  }
0xb0: {  	[sflag:s21] =	ssyncadd.s32 $0xFFFFD800  }
0xb1: {  	_ =	swait.ge [sflag:s26], $0x2800  }
0xb2: {  	[sflag:s26] =	ssyncset.done $0x0  }
0xb3: {  	s1 =	simm.s32 $0x0;
	[sflag:s26] =	ssyncadd.s32 $0xFFFFD800  }
0xb4: {  	v0 =	vld [tilespmem:s1+$0x4F70]  }
0xb5: {  	v1 =	vld [tilespmem:s1+$0x7770]  }
0xb6: {  	v2 =	vld [tilespmem:s1+$0x4F00]  }
0xb7: {  	v3 =	vld [tilespmem:s1+$0x7700]  }
0xb8: {  	v4 =	vld [tilespmem:s1+$0x4F10]  }
0xb9: {  	v5 =	vld [tilespmem:s1+$0x7710]  }
0xba: {  	v6 =	vld [tilespmem:s1+$0x4F20]  }
0xbb: {  	v0 =	vadd.f32 v1, v0;
	v1 =	vld [tilespmem:s1+$0x7720]  }
0xbc: {  	v7 =	vld [tilespmem:s1+$0x4F30]  }
0xbd: {  	v8 =	vld [tilespmem:s1+$0x7730];
	v2 =	vadd.f32 v3, v2  }
0xbe: {  	v9 =	vld [tilespmem:s1+$0x4F40];
	v0 =	vmax.f32 v0, $0.0e+00  }
0xbf: {  	[tilespmem:s1+$0xEF70] =	vst v0;
	v0 =	vmax.f32 v2, $0.0e+00;
	v2 =	vadd.f32 v5, v4;
	v5 =	vld [tilespmem:s1+$0x7740]  }
0xc0: {  	v3 =	vld [tilespmem:s1+$0x7750];
	v1 =	vadd.f32 v1, v6  }
0xc1: {  	[tilespmem:s1+$0xEF00] =	vst v0;
	v0 =	vld [tilespmem:s1+$0x4F50];
	v2 =	vmax.f32 v2, $0.0e+00  }
0xc2: {  	v4 =	vld [tilespmem:s1+$0x7760];
	v6 =	vadd.f32 v8, v7;
	[tilespmem:s1+$0xEF10] =	vst v2;
	v2 =	vmax.f32 v1, $0.0e+00  }
0xc3: {  	s0 =	simm.s32 $0x80;
	v1 =	vld [tilespmem:s1+$0x4F60];
	[tilespmem:s1+$0xEF20] =	vst v2  }
0xc4: {  	s18 =	simm.s32 $0x400;
	v6 =	vmax.f32 v6, $0.0e+00;
	v5 =	vadd.f32 v5, v9;
	v2 =	vld [tilespmem:s0+$0x4F70]  }
.LBB2_9:
0xc5: {  	p0 =	sne.s32 s18, $0x9E00;
	v7 =	vld [tilespmem:s0+$0x7770];
	[tilespmem:s1+$0xEF30] =	vst v6  }
0xc6: {  	v6 =	vld [tilespmem:s0+$0x4F00];
	v5 =	vmax.f32 v5, $0.0e+00;
	v0 =	vadd.f32 v3, v0  }
0xc7: {  	v3 =	vld [tilespmem:s0+$0x7700];
	[tilespmem:s1+$0xEF40] =	vst v5  }
0xc8: {  	v5 =	vld [tilespmem:s0+$0x4F10];
	v0 =	vmax.f32 v0, $0.0e+00;
	v1 =	vadd.f32 v4, v1  }
0xc9: {  	v4 =	vld [tilespmem:s0+$0x7710];
	[tilespmem:s1+$0xEF50] =	vst v0  }
0xca: {  	v0 =	vld [tilespmem:s0+$0x4F20];
	v2 =	vadd.f32 v7, v2;
	v1 =	vmax.f32 v1, $0.0e+00  }
0xcb: {  	v7 =	vld [tilespmem:s0+$0x7720];
	[tilespmem:s1+$0xEF60] =	vst v1;
	s1 =	smov.u32 s0  }
0xcc: {  	v1 =	vadd.f32 v3, v6;
	v6 =	vld [tilespmem:s1+$0x4F30];
	v2 =	vmax.f32 v2, $0.0e+00  }
0xcd: {  	v8 =	vld [tilespmem:s1+$0x7730];
	[tilespmem:s1+$0xEF70] =	vst v2  }
0xce: {  	v1 =	vmax.f32 v1, $0.0e+00;
	v2 =	vadd.f32 v4, v5;
	v5 =	vld [tilespmem:s1+$0x4F40]  }
0xcf: {  	[tilespmem:s1+$0xEF00] =	vst v1;
	v9 =	vld [tilespmem:s1+$0x7740]  }
.Ltmp4:
0xd0: {  	v1 =	vmax.f32 v2, $0.0e+00;
	v2 =	vadd.f32 v7, v0;
	v0 =	vld [tilespmem:s1+$0x4F50];
	(pc) =	sbr.rel @p0 .LBB2_9-.Ltmp4, $4  }
0xd1: {  	[tilespmem:s1+$0xEF10] =	vst v1;
	v3 =	vld [tilespmem:s1+$0x7750]  }
0xd2: {  	v2 =	vmax.f32 v2, $0.0e+00;
	v6 =	vadd.f32 v8, v6;
	v1 =	vld [tilespmem:s1+$0x4F60]  }
0xd3: {  	s0 =	sshra.s32 s18, $0x2;
	[tilespmem:s1+$0xEF20] =	vst v2;
	v4 =	vld [tilespmem:s1+$0x7760]  }
0xd4: {  	s18 =	sadd.s32 $0x200, s18;
	v2 =	vld [tilespmem:s0+$0x4F70];
	v6 =	vmax.f32 v6, $0.0e+00;
	v5 =	vadd.f32 v9, v5  }
0xd5: {  	v7 =	vld [tilespmem:s0+$0x7770];
	[tilespmem:s1+$0xEF30] =	vst v6  }
0xd6: {  	v6 =	vld [tilespmem:s0+$0x4F00];
	v5 =	vmax.f32 v5, $0.0e+00;
	v0 =	vadd.f32 v3, v0  }
0xd7: {  	v8 =	vld [tilespmem:s0+$0x7700];
	[tilespmem:s1+$0xEF40] =	vst v5  }
0xd8: {  	v52 =	vld [tilespmem:s0+$0x4F10];
	v0 =	vmax.f32 v0, $0.0e+00;
	v1 =	vadd.f32 v4, v1  }
0xd9: {  	v5 =	vld [tilespmem:s0+$0x7710];
	[tilespmem:s1+$0xEF50] =	vst v0  }
0xda: {  	v0 =	vld [tilespmem:s0+$0x4F20];
	v1 =	vmax.f32 v1, $0.0e+00  }
0xdb: {  	v53 =	vld [tilespmem:s0+$0x7720];
	[tilespmem:s1+$0xEF60] =	vst v1  }
0xdc: {  	v1 =	vld [tilespmem:s0+$0x4F30]  }
0xdd: {  	v54 =	vld [tilespmem:s0+$0x7730]  }
0xde: {  	v56 =	vld [tilespmem:s0+$0x4F40]  }
0xdf: {  	v57 =	vld [tilespmem:s0+$0x7740]  }
0xe0: {  	v58 =	vld [tilespmem:s0+$0x4F50]  }
0xe1: {  	v2 =	vadd.f32 v7, v2;
	v59 =	vld [tilespmem:s0+$0x7750]  }
0xe2: {  	v6 =	vadd.f32 v8, v6;
	v60 =	vld [tilespmem:s0+$0x4F60]  }
0xe3: {  	v2 =	vmax.f32 v2, $0.0e+00;
	v61 =	vld [tilespmem:s0+$0x7760];
	v3 =	vadd.f32 v5, v52  }
0xe4: {  	[tilespmem:s0+$0xEF70] =	vst v2;
	v55 =	vmax.f32 v6, $0.0e+00;
	v0 =	vadd.f32 v53, v0  }
0xe5: {  	[tilespmem:s0+$0xEF00] =	vst v55;
	v3 =	vmax.f32 v3, $0.0e+00;
	v1 =	vadd.f32 v54, v1  }
0xe6: {  	[tilespmem:s0+$0xEF10] =	vst v3;
	v0 =	vmax.f32 v0, $0.0e+00;
	v2 =	vadd.f32 v57, v56  }
0xe7: {  	v3 =	vadd.f32 v59, v58;
	[tilespmem:s0+$0xEF20] =	vst v0;
	v1 =	vmax.f32 v1, $0.0e+00  }
0xe8: {  	v0 =	vadd.f32 v61, v60;
	v62 =	vmax.f32 v2, $0.0e+00;
	[tilespmem:s0+$0xEF30] =	vst v1  }
0xe9: {  	v63 =	vmax.f32 v3, $0.0e+00;
	[tilespmem:s0+$0xEF40] =	vst v62  }
0xea: {  	[tilespmem:s0+$0xEF50] =	vst v63;
	v0 =	vmax.f32 v0, $0.0e+00  }
0xeb: {  	s29 =	sadd.s32 $0x1, s29;
	[tilespmem:s0+$0xEF60] =	vst v0  }
0xec: {  	[hbm4b:s10+s2] =	stream.linear.scatter [tilespmem:s22], [sflag:$0x5], $0x2800, $0x38;
	[tilespmem:$0x13F00] =	vst v63  }
0xed: {  	p0 =	sne.s32 s29, s11;
	_ =	swait.ge [sflag:s28], $0x2800  }
.Ltmp5:
0xee: {  	[sflag:s28] =	ssyncset.done $0x0;
	(pc) =	sbr.rel @p0 .LBB2_1-.Ltmp5, $4  }
0xef: {  	[sflag:s28] =	ssyncadd.s32 $0xFFFFD800  }
0xf0: {  	_ =	swait.ge [sflag:s26], $0x2800  }
0xf1: {  	[sflag:s26] =	ssyncset.done $0x0  }
0xf2: {  	[sflag:s26] =	ssyncadd.s32 $0xFFFFD800  }
0xf3: {  	_ =	sfence.sel $0x180000  }
0xf4: {  	[bflag:$0x0] =	sbarrier.arrive $0xFFFF  }
0xf5: {  	_ =	strace $0x90000047  }
0xf6: {  	s0 =	stileid.u32;
	[bflag:$0x2] =	sbarrier.arrive $0xFFFF  }
0xf7: {  	p0 =	sne.s32 s0, $0x0;
	s0 =	rddreg [dreg:$0x2]  }
0xf8: {  	s0 =	sadd.s32 @!p0 $0x100000, s0  }
0xf9: {  	[sflag:s0] =	ssyncadd.tile.s32 @!p0 $0x1;
	_ =	shalt  }
.Lfunc_end2:
_tile_overlayer_lowered:
.L_overlay_start_2:
0xfa: {  	(tag) =	ssettag $0x2  }
0xfb: {  	s0 =	rddreg [dreg:$0x0];
	s2 =	stileid.u32  }
0xfc: {  	s1 =	rddreg [dreg:$0x1];
	p0 =	sne.s32 s2, $0x0  }
0xfd: {  	s3 =	rddreg [dreg:$0x2];
	[bflag:$0x3] =	sbarrier.arrive $0xFFFF;
	s2 =	simm.s32 @!p0 $0x1C07  }
0xfe: {  	[timem:s3], [sflag:s2] =	dma.local @!p0 [hbm:s0], s1  }
0xff: {  	s0 =	simm.s32 @!p0 $0x7  }
0x100: {  	_ =	swait.ge @!p0 [sflag:s0], s1  }
0x101: {  	s1 =	ssub.s32 @!p0 $0x0, s1;
	[sflag:s0] =	ssyncset.done @!p0 $0x0  }
0x102: {  	[sflag:s0] =	ssyncadd.s32 @!p0 s1  }
0x103: {  	[bflag:$0x3] =	sbarrier.arrive $0xFFFF  }
0x104: {  	_ =	shalt  }

</sc_bundles>
